<compile_context>
chip_gen: v7x
topology: tpu7x:2x2x1
jax: 0.10.2.dev20260603
libtpu: 0.0.44.dev20260713+nightly
codegen_flags: <defaults>
</compile_context>

<pallas_src>
import functools

import jax
import jax.numpy as jnp
from jax import lax
from jax.experimental import pallas as pl
from jax.experimental.pallas import tpu as pltpu
from jax.experimental.pallas import tpu_sc as plsc

N = 10000
E = 320000
T = 16
D = 128
H = 256
L = 256
C = 5

NTILES = 16
ROWS_PT = N // NTILES
K = 128
NCH = 158
NPAIR = NCH // 2
EPT = NCH * K
EPAD = NTILES * EPT
ACC_N = N + 16


@functools.lru_cache(maxsize=None)
def _make_seg_sum(G):
  mesh = plsc.VectorSubcoreMesh(core_axis_name="c", subcore_axis_name="s")

  @functools.partial(
      pl.kernel,
      out_type=jax.ShapeDtypeStruct((G, NTILES, ROWS_PT, D), jnp.float32),
      mesh=mesh,
      scratch_types=[
          [pltpu.VMEM((K,), jnp.int32) for _ in range(2)],
          [pltpu.VMEM((K,), jnp.int32) for _ in range(2)],
          [pltpu.VMEM((K, D), jnp.float32) for _ in range(2)],
          pltpu.VMEM_SHARED((ACC_N, D), jnp.float32),
          [pltpu.SemaphoreType.DMA for _ in range(2)],
          [pltpu.SemaphoreType.DMA for _ in range(2)],
          pltpu.SemaphoreType.DMA,
      ],
  )
  def seg_sum(x_hbm, src_hbm, dst_hbm, zeros_hbm, out_hbm,
              srcv, dstv, rowsv, acc, isem, gsem, ssem):
    cid = lax.axis_index("c")
    sid = lax.axis_index("s")
    ebase = sid * EPT
    rbase = sid * ROWS_PT

    def idx_start(c, s):
      off = ebase + c * K
      pltpu.async_copy(src_hbm.at[pl.ds(off, K)], srcv[s], isem[s])
      pltpu.async_copy(dst_hbm.at[pl.ds(off, K)], dstv[s], isem[s])

    def idx_wait(s):
      pltpu.make_async_copy(src_hbm.at[pl.ds(0, K)], srcv[s], isem[s]).wait()
      pltpu.make_async_copy(dst_hbm.at[pl.ds(0, K)], dstv[s], isem[s]).wait()

    def gather_start(gg, s):
      pltpu.async_copy(x_hbm.at[gg].at[srcv[s]], rowsv[s], gsem[s])

    def gather_wait(gg, s):
      pltpu.make_async_copy(x_hbm.at[gg].at[srcv[s]], rowsv[s],
                            gsem[s]).wait()

    def scatter_start(s):
      return pltpu.async_copy(rowsv[s], acc.at[dstv[s]], ssem, add=True)

    def g_body(gl, carry):
      gg = 2 * gl + cid
      pltpu.sync_copy(zeros_hbm, acc.at[pl.ds(rbase, ROWS_PT)])
      plsc.subcore_barrier()

      idx_start(0, 0)
      idx_wait(0)
      gather_start(gg, 0)
      idx_start(1, 1)

      def body(j, carry):
        a = 2 * j
        gather_wait(gg, 0)
        sa = scatter_start(0)
        idx_wait(1)
        gather_start(gg, 1)
        sa.wait()

        @pl.when(j < NPAIR - 1)
        def _():
          idx_start(a + 2, 0)

        gather_wait(gg, 1)
        sb = scatter_start(1)

        @pl.when(j < NPAIR - 1)
        def _():
          idx_wait(0)
          gather_start(gg, 0)

        sb.wait()

        @pl.when(j < NPAIR - 1)
        def _():
          idx_start(a + 3, 1)

        return carry

      lax.fori_loop(0, NPAIR, body, 0)
      plsc.subcore_barrier()
      pltpu.sync_copy(acc.at[pl.ds(rbase, ROWS_PT)], out_hbm.at[gg].at[sid])
      return carry

    lax.fori_loop(0, G // 2, g_body, 0)

  def wrapped(x, src, dst, zeros_blk):
    return seg_sum(x, src, dst, zeros_blk).reshape(G, N, D)

  return wrapped


BLK = 2000
NB = N // BLK


def _layer1_body(x_ref, agg_ref, w1r_ref, w1n_ref, b1_ref, out_ref):
  agg = agg_ref[0].astype(jnp.float32)
  z = (jnp.dot(x_ref[0], w1r_ref[...], preferred_element_type=jnp.float32)
       + jnp.dot(agg, w1n_ref[...], preferred_element_type=jnp.float32)
       + b1_ref[0])
  out_ref[0, 0] = jnp.maximum(z, 0.0)


def _layer1(x_seq, agg1, W1r, W1n, b1):
  return pl.pallas_call(
      _layer1_body,
      grid=(T, NB, 2),
      in_specs=[
          pl.BlockSpec((1, BLK, D), lambda t, nb, h: (t, nb, 0)),
          pl.BlockSpec((1, BLK, D), lambda t, nb, h: (t, nb, 0)),
          pl.BlockSpec((D, H // 2), lambda t, nb, h: (0, h)),
          pl.BlockSpec((D, H // 2), lambda t, nb, h: (0, h)),
          pl.BlockSpec((1, 1, H // 2), lambda t, nb, h: (h, 0, 0)),
      ],
      out_specs=pl.BlockSpec((1, 1, BLK, D), lambda t, nb, h: (h, t, nb, 0)),
      out_shape=jax.ShapeDtypeStruct((2, T, N, D), jnp.float32),
  )(x_seq, agg1, W1r, W1n, b1.reshape(2, 1, H // 2))


def _layer2_body(x0_ref, x1_ref, a0_ref, a1_ref, w2r_ref, w2n_ref, b2_ref,
                 out_ref):
  nb = pl.program_id(1)
  x0 = x0_ref[0, 0].astype(jnp.float32)
  x1 = x1_ref[0, 0].astype(jnp.float32)
  a0 = a0_ref[0].astype(jnp.float32)
  a1 = a1_ref[0].astype(jnp.float32)
  z = (jnp.dot(x0, w2r_ref[:D, :], preferred_element_type=jnp.float32)
       + jnp.dot(x1, w2r_ref[D:, :], preferred_element_type=jnp.float32)
       + jnp.dot(a0, w2n_ref[:D, :], preferred_element_type=jnp.float32)
       + jnp.dot(a1, w2n_ref[D:, :], preferred_element_type=jnp.float32)
       + b2_ref[...])
  x3 = jnp.maximum(z, 0.0)
  part = jnp.sum(x3, axis=0, keepdims=True) * (1.0 / N)

  @pl.when(nb == 0)
  def _():
    out_ref[0] = part

  @pl.when(nb != 0)
  def _():
    out_ref[0] = out_ref[0] + part


def _layer2_pool(x2, agg2, W2r, W2n, b2):
  return pl.pallas_call(
      _layer2_body,
      grid=(T, NB),
      in_specs=[
          pl.BlockSpec((1, 1, BLK, D), lambda t, nb: (0, t, nb, 0)),
          pl.BlockSpec((1, 1, BLK, D), lambda t, nb: (1, t, nb, 0)),
          pl.BlockSpec((1, BLK, D), lambda t, nb: (t, nb, 0)),
          pl.BlockSpec((1, BLK, D), lambda t, nb: (t + T, nb, 0)),
          pl.BlockSpec((H, H), lambda t, nb: (0, 0)),
          pl.BlockSpec((H, H), lambda t, nb: (0, 0)),
          pl.BlockSpec((1, H), lambda t, nb: (0, 0)),
      ],
      out_specs=pl.BlockSpec((1, 1, H), lambda t, nb: (t, 0, 0)),
      out_shape=jax.ShapeDtypeStruct((T, 1, H), jnp.float32),
  )(x2, x2, agg2, agg2, W2r, W2n, b2.reshape(1, H)).reshape(T, H)


def _lstm_body(seq_ref, wih_ref, whh_ref, b_ref, wc_ref, bc_ref, out_ref):
  zx = jnp.dot(seq_ref[...], wih_ref[...],
               preferred_element_type=jnp.float32) + b_ref[...]

  def step(t, hc):
    h, c = hc
    onehot = (lax.broadcasted_iota(jnp.int32, (1, T), 1) == t).astype(jnp.float32)
    row = jnp.dot(onehot, zx, preferred_element_type=jnp.float32)
    z = row + jnp.dot(h, whh_ref[...], preferred_element_type=jnp.float32)
    i = jax.nn.sigmoid(z[:, :L])
    f = jax.nn.sigmoid(z[:, L:2 * L])
    g = jnp.tanh(z[:, 2 * L:3 * L])
    o = jax.nn.sigmoid(z[:, 3 * L:])
    c = f * c + i * g
    h = o * jnp.tanh(c)
    return (h, c)

  h0 = jnp.zeros((1, L), jnp.float32)
  c0 = jnp.zeros((1, L), jnp.float32)
  h, _ = lax.fori_loop(0, T, step, (h0, c0))
  out_ref[...] = jnp.dot(h, wc_ref[...],
                         preferred_element_type=jnp.float32) + bc_ref[...]


def _lstm_head(pooled, W_ih, W_hh, bsum, Wc_pad, bc_pad):
  return pl.pallas_call(
      _lstm_body,
      out_shape=jax.ShapeDtypeStruct((1, 128), jnp.float32),
  )(pooled, W_ih, W_hh, bsum, Wc_pad, bc_pad)


def kernel(x_seq, edge_index, W1r, W1n, b1, W2r, W2n, b2,
           W_ih, W_hh, b_ih, b_hh, Wc, bc):
  ei = edge_index.astype(jnp.int32)
  npad = EPAD - E
  src = jnp.concatenate([ei[0], jnp.zeros((npad,), jnp.int32)])
  dst = jnp.concatenate([ei[1], jnp.full((npad,), N, jnp.int32)])
  zeros_blk = jnp.zeros((ROWS_PT, D), jnp.float32)

  agg1 = _make_seg_sum(T)(x_seq, src, dst, zeros_blk)
  x2 = _layer1(x_seq, agg1, W1r, W1n, b1)
  agg2 = _make_seg_sum(2 * T)(x2.reshape(2 * T, N, D), src, dst, zeros_blk)
  pooled = _layer2_pool(x2, agg2, W2r, W2n, b2)

  bsum = (b_ih + b_hh).reshape(1, 4 * L)
  Wc_pad = jnp.pad(Wc, ((0, 0), (0, 128 - C)))
  bc_pad = jnp.pad(bc, (0, 128 - C)).reshape(1, 128)
  logits = _lstm_head(pooled, W_ih, W_hh, bsum, Wc_pad, bc_pad)
  return logits[:, :C]

# --- scband reference (transcript-rebuilt; emitter-appended) ---
"""Pipeline reference for scband-gnnlstmclassifier-90417651516489 (READ-ONLY COPY).

The authoritative reference and input builder live on the scoring server;
editing this copy changes nothing except your own understanding.
"""

import jax, jax.numpy as jnp
import numpy as np

N = 10000
E = 320000
T = 16
D = 128
H = 256
L = 256
C = 5

def setup_inputs(seed: int = 0) -> dict:
    key = jax.random.key(seed)
    ks = jax.random.split(key, 16)
    x_seq = jax.random.normal(ks[0], (T, N, D), dtype=jnp.float32)
    edge_index = jax.random.randint(ks[1], (2, E), 0, N, dtype=jnp.int64)
    s = 1.0 / np.sqrt(D)
    W1r = jax.random.uniform(ks[2], (D, H), minval=-s, maxval=s, dtype=jnp.float32)
    W1n = jax.random.uniform(ks[3], (D, H), minval=-s, maxval=s, dtype=jnp.float32)
    b1 = jnp.zeros((H,), dtype=jnp.float32)
    s2 = 1.0 / np.sqrt(H)
    W2r = jax.random.uniform(ks[4], (H, H), minval=-s2, maxval=s2, dtype=jnp.float32)
    W2n = jax.random.uniform(ks[5], (H, H), minval=-s2, maxval=s2, dtype=jnp.float32)
    b2 = jnp.zeros((H,), dtype=jnp.float32)
    sl = 1.0 / np.sqrt(L)
    W_ih = jax.random.uniform(ks[6], (H, 4 * L), minval=-sl, maxval=sl, dtype=jnp.float32)
    W_hh = jax.random.uniform(ks[7], (L, 4 * L), minval=-sl, maxval=sl, dtype=jnp.float32)
    b_ih = jax.random.uniform(ks[8], (4 * L,), minval=-sl, maxval=sl, dtype=jnp.float32)
    b_hh = jax.random.uniform(ks[9], (4 * L,), minval=-sl, maxval=sl, dtype=jnp.float32)
    Wc = jax.random.uniform(ks[10], (L, C), minval=-sl, maxval=sl, dtype=jnp.float32)
    bc = jnp.zeros((C,), dtype=jnp.float32)
    return {"x_seq": x_seq, "edge_index": edge_index, "W1r": W1r, "W1n": W1n, "b1": b1, "W2r": W2r, "W2n": W2n, "b2": b2, "W_ih": W_ih, "W_hh": W_hh, "b_ih": b_ih, "b_hh": b_hh, "Wc": Wc, "bc": bc}


def _graph_conv(x, src, dst, Wr, Wn, b):
    msgs = jnp.take(x, src, axis=0)
    agg = jax.ops.segment_sum(msgs, dst, num_segments=N)
    return x @ Wr + agg @ Wn + b


def _lstm(seq, W_ih, W_hh, b_ih, b_hh):
    def step(carry, x_t):
        h, c = carry
        z = x_t @ W_ih + h @ W_hh + b_ih + b_hh
        i, f, g, o = jnp.split(z, 4, axis=-1)
        i = jax.nn.sigmoid(i)
        f = jax.nn.sigmoid(f)
        g = jnp.tanh(g)
        o = jax.nn.sigmoid(o)
        c = f * c + i * g
        h = o * jnp.tanh(c)
        return (h, c), h
    h0 = jnp.zeros((L,), dtype=seq.dtype)
    c0 = jnp.zeros((L,), dtype=seq.dtype)
    (_, _), hs = jax.lax.scan(step, (h0, c0), seq)
    return hs


def reference(x_seq, edge_index, W1r, W1n, b1, W2r, W2n, b2, W_ih, W_hh, b_ih, b_hh, Wc, bc):
    src = edge_index[0]
    dst = edge_index[1]
    embeds = []
    for t in range(T):
        x = x_seq[t]
        x = jax.nn.relu(_graph_conv(x, src, dst, W1r, W1n, b1))
        x = jax.nn.relu(_graph_conv(x, src, dst, W2r, W2n, b2))
        pooled = jnp.mean(x, axis=0)  # global_mean_pool with all-zero batch ids
        embeds.append(pooled)
    seq = jnp.stack(embeds)  # [T, H]
    hs = _lstm(seq, W_ih, W_hh, b_ih, b_hh)  # [T, L]
    last = hs[-1][None, :]  # [1, L]
    return last @ Wc + bc

if __name__ == "__main__":
    import jax
    _d = setup_inputs()
    print(jax.jit(kernel)(*tuple(_d.values())))

</pallas_src>

<mosaic_0001>
#map = affine_map<(d0, d1) -> (0, 0, 0)>
#map1 = affine_map<(d0, d1) -> (0)>
#map2 = affine_map<(d0, d1) -> (0, 0)>
#map3 = affine_map<(d0, d1) -> (0, 0, 0, 0)>
module attributes {stable_mosaic.version = 14 : i64} {
  func.func @seg_sum(%arg0: i32, %arg1: i32, %arg2: memref<32x10000x128xf32, #tpu.memory_space<hbm>>, %arg3: memref<323584xi32, #tpu.memory_space<hbm>>, %arg4: memref<323584xi32, #tpu.memory_space<hbm>>, %arg5: memref<625x128xf32, #tpu.memory_space<hbm>>, %arg6: memref<32x16x625x128xf32, #tpu.memory_space<hbm>>, %arg7: memref<128xi32, #tpu.memory_space<vmem>>, %arg8: memref<128xi32, #tpu.memory_space<vmem>>, %arg9: memref<128xi32, #tpu.memory_space<vmem>>, %arg10: memref<128xi32, #tpu.memory_space<vmem>>, %arg11: memref<128x128xf32, #tpu.memory_space<vmem>>, %arg12: memref<128x128xf32, #tpu.memory_space<vmem>>, %arg13: memref<10016x128xf32, #tpu.memory_space<vmem_shared>>, %arg14: memref<!tpu.dma_semaphore, #tpu.memory_space<semaphore_mem>>, %arg15: memref<!tpu.dma_semaphore, #tpu.memory_space<semaphore_mem>>, %arg16: memref<!tpu.dma_semaphore, #tpu.memory_space<semaphore_mem>>, %arg17: memref<!tpu.dma_semaphore, #tpu.memory_space<semaphore_mem>>, %arg18: memref<!tpu.dma_semaphore, #tpu.memory_space<semaphore_mem>>) attributes {dimension_semantics = [#tpu.dimension_semantics<core_parallel>, #tpu.dimension_semantics<subcore_parallel>], iteration_bounds = array<i64: 2, 16>, scalar_prefetch = 0 : i64, scratch_operands = 12 : i64, tpu.core_type = #tpu.core_type<sc_vector_subcore>, window_params = [{transform_indices = #map}, {transform_indices = #map1}, {transform_indices = #map1}, {transform_indices = #map2}, {transform_indices = #map3}]} {
    %mul3A = arith.constant 20224 : i32
    %mul3A_0 = arith.muli %arg1, %mul3A : i32
    %mul3A_1 = arith.constant 625 : i32
    %mul3A_2 = arith.muli %arg1, %mul3A_1 : i32
    %scan3A = arith.constant 0 : i32
    %scan3A_3 = arith.constant 0 : i32
    %scan3A_4 = arith.constant 16 : i32
    %scan3A_5 = arith.addi %scan3A_3, %scan3A_4 : i32
    %scan3A_6 = arith.constant 1 : i32
    scf.for %scan3A_8 = %scan3A_3 to %scan3A_5 step %scan3A_6  : i32 {
      %mul3A_9 = arith.constant 2 : i32
      %mul3A_10 = arith.muli %mul3A_9, %scan3A_8 : i32
      %add3A = arith.addi %mul3A_10, %arg0 : i32
      "tpu.region"() ({
        %run_scoped3A = tpu.sem_alloc : memref<!tpu.dma_semaphore, #tpu.memory_space<semaphore_mem>>
        %dma_start3A_43 = arith.constant 0 : i32
        %dma_start3A_44 = tpu.memref_slice %arg13[%mul3A_2, %dma_start3A_43] : memref<10016x128xf32, #tpu.memory_space<vmem_shared>> -> memref<625x128xf32, #tpu.memory_space<vmem_shared>>
        tpu.enqueue_dma source(%arg5 : memref<625x128xf32, #tpu.memory_space<hbm>>) target(%dma_start3A_44 : memref<625x128xf32, #tpu.memory_space<vmem_shared>>) target_semaphore(%run_scoped3A : memref<!tpu.dma_semaphore, #tpu.memory_space<semaphore_mem>>)
        %dma_wait3A_45 = arith.constant 0 : i32
        %dma_wait3A_46 = tpu.memref_slice %arg13[%mul3A_2, %dma_wait3A_45] : memref<10016x128xf32, #tpu.memory_space<vmem_shared>> -> memref<625x128xf32, #tpu.memory_space<vmem_shared>>
        tpu.wait_dma2 semaphore(%run_scoped3A : memref<!tpu.dma_semaphore, #tpu.memory_space<semaphore_mem>>) src(%arg5 : memref<625x128xf32, #tpu.memory_space<hbm>>) dst(%dma_wait3A_46 : memref<625x128xf32, #tpu.memory_space<vmem_shared>>)
        tpu.yield
      }) : () -> ()
      %barrier3A = arith.constant 0 : index
      tpu.barrier barrier_id(%barrier3A)
      %add3A_11 = arith.constant 0 : i32
      %add3A_12 = arith.addi %mul3A_0, %add3A_11 : i32
      %dma_start3A = tpu.memref_slice %arg3[%add3A_12] : memref<323584xi32, #tpu.memory_space<hbm>> -> memref<128xi32, #tpu.memory_space<hbm>>
      %dma_start3A_13 = tpu.memref_slice %arg3[%add3A_12] : memref<323584xi32, #tpu.memory_space<hbm>> -> memref<128xi32, #tpu.memory_space<hbm>>
      tpu.enqueue_dma source(%dma_start3A_13 : memref<128xi32, #tpu.memory_space<hbm>>) target(%arg7 : memref<128xi32, #tpu.memory_space<vmem>>) target_semaphore(%arg14 : memref<!tpu.dma_semaphore, #tpu.memory_space<semaphore_mem>>)
      %dma_start3A_14 = tpu.memref_slice %arg4[%add3A_12] : memref<323584xi32, #tpu.memory_space<hbm>> -> memref<128xi32, #tpu.memory_space<hbm>>
      %dma_start3A_15 = tpu.memref_slice %arg4[%add3A_12] : memref<323584xi32, #tpu.memory_space<hbm>> -> memref<128xi32, #tpu.memory_space<hbm>>
      tpu.enqueue_dma source(%dma_start3A_15 : memref<128xi32, #tpu.memory_space<hbm>>) target(%arg9 : memref<128xi32, #tpu.memory_space<vmem>>) target_semaphore(%arg14 : memref<!tpu.dma_semaphore, #tpu.memory_space<semaphore_mem>>)
      %dma_wait3A = arith.constant 0 : i32
      %dma_wait3A_16 = tpu.memref_slice %arg3[%dma_wait3A] : memref<323584xi32, #tpu.memory_space<hbm>> -> memref<128xi32, #tpu.memory_space<hbm>>
      %dma_wait3A_17 = arith.constant 0 : i32
      %dma_wait3A_18 = tpu.memref_slice %arg3[%dma_wait3A_17] : memref<323584xi32, #tpu.memory_space<hbm>> -> memref<128xi32, #tpu.memory_space<hbm>>
      tpu.wait_dma2 semaphore(%arg14 : memref<!tpu.dma_semaphore, #tpu.memory_space<semaphore_mem>>) src(%dma_wait3A_18 : memref<128xi32, #tpu.memory_space<hbm>>) dst(%arg7 : memref<128xi32, #tpu.memory_space<vmem>>)
      %dma_wait3A_19 = arith.constant 0 : i32
      %dma_wait3A_20 = tpu.memref_slice %arg4[%dma_wait3A_19] : memref<323584xi32, #tpu.memory_space<hbm>> -> memref<128xi32, #tpu.memory_space<hbm>>
      %dma_wait3A_21 = arith.constant 0 : i32
      %dma_wait3A_22 = tpu.memref_slice %arg4[%dma_wait3A_21] : memref<323584xi32, #tpu.memory_space<hbm>> -> memref<128xi32, #tpu.memory_space<hbm>>
      tpu.wait_dma2 semaphore(%arg14 : memref<!tpu.dma_semaphore, #tpu.memory_space<semaphore_mem>>) src(%dma_wait3A_22 : memref<128xi32, #tpu.memory_space<hbm>>) dst(%arg9 : memref<128xi32, #tpu.memory_space<vmem>>)
      %dma_start3A_23 = arith.constant 0 : i32
      %dma_start3A_24 = arith.constant 0 : i32
      %dma_start3A_25 = tpu.memref_slice %arg2[%add3A, %dma_start3A_23, %dma_start3A_24] : memref<32x10000x128xf32, #tpu.memory_space<hbm>> -> memref<1x10000x128xf32, #tpu.memory_space<hbm>>
      %dma_start3A_26 = tpu.memref_squeeze %dma_start3A_25 : memref<1x10000x128xf32, #tpu.memory_space<hbm>> -> memref<10000x128xf32, #tpu.memory_space<hbm>>
      %dma_start3A_27 = arith.constant 0 : i32
      %dma_start3A_28 = arith.constant 0 : i32
      %dma_start3A_29 = tpu.memref_slice %dma_start3A_26[%dma_start3A_27, %dma_start3A_28] : memref<10000x128xf32, #tpu.memory_space<hbm>> -> memref<10000x128xf32, #tpu.memory_space<hbm>>
      tpu.enqueue_indirect_dma source(%dma_start3A_29 : memref<10000x128xf32, #tpu.memory_space<hbm>>) target(%arg11 : memref<128x128xf32, #tpu.memory_space<vmem>>) offsets(%arg7 : memref<128xi32, #tpu.memory_space<vmem>>) semaphore(%arg16 : memref<!tpu.dma_semaphore, #tpu.memory_space<semaphore_mem>>)
      %add3A_30 = arith.constant 128 : i32
      %add3A_31 = arith.addi %mul3A_0, %add3A_30 : i32
      %dma_start3A_32 = tpu.memref_slice %arg3[%add3A_31] : memref<323584xi32, #tpu.memory_space<hbm>> -> memref<128xi32, #tpu.memory_space<hbm>>
      %dma_start3A_33 = tpu.memref_slice %arg3[%add3A_31] : memref<323584xi32, #tpu.memory_space<hbm>> -> memref<128xi32, #tpu.memory_space<hbm>>
      tpu.enqueue_dma source(%dma_start3A_33 : memref<128xi32, #tpu.memory_space<hbm>>) target(%arg8 : memref<128xi32, #tpu.memory_space<vmem>>) target_semaphore(%arg15 : memref<!tpu.dma_semaphore, #tpu.memory_space<semaphore_mem>>)
      %dma_start3A_34 = tpu.memref_slice %arg4[%add3A_31] : memref<323584xi32, #tpu.memory_space<hbm>> -> memref<128xi32, #tpu.memory_space<hbm>>
      %dma_start3A_35 = tpu.memref_slice %arg4[%add3A_31] : memref<323584xi32, #tpu.memory_space<hbm>> -> memref<128xi32, #tpu.memory_space<hbm>>
      tpu.enqueue_dma source(%dma_start3A_35 : memref<128xi32, #tpu.memory_space<hbm>>) target(%arg10 : memref<128xi32, #tpu.memory_space<vmem>>) target_semaphore(%arg15 : memref<!tpu.dma_semaphore, #tpu.memory_space<semaphore_mem>>)
      %scan3A_36 = arith.constant 0 : i32
      %scan3A_37 = arith.constant 0 : i32
      %scan3A_38 = arith.constant 79 : i32
      %scan3A_39 = arith.addi %scan3A_37, %scan3A_38 : i32
      %scan3A_40 = arith.constant 1 : i32
      scf.for %scan3A_43 = %scan3A_37 to %scan3A_39 step %scan3A_40  : i32 {
        %mul3A_44 = arith.constant 2 : i32
        %mul3A_45 = arith.muli %mul3A_44, %scan3A_43 : i32
        %dma_wait3A_46 = arith.constant 0 : i32
        %dma_wait3A_47 = arith.constant 0 : i32
        %dma_wait3A_48 = tpu.memref_slice %arg2[%add3A, %dma_wait3A_46, %dma_wait3A_47] : memref<32x10000x128xf32, #tpu.memory_space<hbm>> -> memref<1x10000x128xf32, #tpu.memory_space<hbm>>
        %dma_wait3A_49 = tpu.memref_squeeze %dma_wait3A_48 : memref<1x10000x128xf32, #tpu.memory_space<hbm>> -> memref<10000x128xf32, #tpu.memory_space<hbm>>
        %dma_wait3A_50 = arith.constant 0 : i32
        %dma_wait3A_51 = arith.constant 0 : i32
        %dma_wait3A_52 = tpu.memref_slice %dma_wait3A_49[%dma_wait3A_50, %dma_wait3A_51] : memref<10000x128xf32, #tpu.memory_space<hbm>> -> memref<10000x128xf32, #tpu.memory_space<hbm>>
        tpu.wait_indirect_dma semaphore(%arg16 : memref<!tpu.dma_semaphore, #tpu.memory_space<semaphore_mem>>) src(%dma_wait3A_52 : memref<10000x128xf32, #tpu.memory_space<hbm>>) dst(%arg11 : memref<128x128xf32, #tpu.memory_space<vmem>>)
        %dma_start3A_53 = arith.constant 0 : i32
        %dma_start3A_54 = arith.constant 0 : i32
        %dma_start3A_55 = tpu.memref_slice %arg13[%dma_start3A_53, %dma_start3A_54] : memref<10016x128xf32, #tpu.memory_space<vmem_shared>> -> memref<10016x128xf32, #tpu.memory_space<vmem_shared>>
        tpu.enqueue_indirect_dma source(%arg11 : memref<128x128xf32, #tpu.memory_space<vmem>>) target(%dma_start3A_55 : memref<10016x128xf32, #tpu.memory_space<vmem_shared>>) offsets(%arg9 : memref<128xi32, #tpu.memory_space<vmem>>) semaphore(%arg18 : memref<!tpu.dma_semaphore, #tpu.memory_space<semaphore_mem>>) {add = true}
        %dma_wait3A_56 = arith.constant 0 : i32
        %dma_wait3A_57 = tpu.memref_slice %arg3[%dma_wait3A_56] : memref<323584xi32, #tpu.memory_space<hbm>> -> memref<128xi32, #tpu.memory_space<hbm>>
        %dma_wait3A_58 = arith.constant 0 : i32
        %dma_wait3A_59 = tpu.memref_slice %arg3[%dma_wait3A_58] : memref<323584xi32, #tpu.memory_space<hbm>> -> memref<128xi32, #tpu.memory_space<hbm>>
        tpu.wait_dma2 semaphore(%arg15 : memref<!tpu.dma_semaphore, #tpu.memory_space<semaphore_mem>>) src(%dma_wait3A_59 : memref<128xi32, #tpu.memory_space<hbm>>) dst(%arg8 : memref<128xi32, #tpu.memory_space<vmem>>)
        %dma_wait3A_60 = arith.constant 0 : i32
        %dma_wait3A_61 = tpu.memref_slice %arg4[%dma_wait3A_60] : memref<323584xi32, #tpu.memory_space<hbm>> -> memref<128xi32, #tpu.memory_space<hbm>>
        %dma_wait3A_62 = arith.constant 0 : i32
        %dma_wait3A_63 = tpu.memref_slice %arg4[%dma_wait3A_62] : memref<323584xi32, #tpu.memory_space<hbm>> -> memref<128xi32, #tpu.memory_space<hbm>>
        tpu.wait_dma2 semaphore(%arg15 : memref<!tpu.dma_semaphore, #tpu.memory_space<semaphore_mem>>) src(%dma_wait3A_63 : memref<128xi32, #tpu.memory_space<hbm>>) dst(%arg10 : memref<128xi32, #tpu.memory_space<vmem>>)
        %dma_start3A_64 = arith.constant 0 : i32
        %dma_start3A_65 = arith.constant 0 : i32
        %dma_start3A_66 = tpu.memref_slice %arg2[%add3A, %dma_start3A_64, %dma_start3A_65] : memref<32x10000x128xf32, #tpu.memory_space<hbm>> -> memref<1x10000x128xf32, #tpu.memory_space<hbm>>
        %dma_start3A_67 = tpu.memref_squeeze %dma_start3A_66 : memref<1x10000x128xf32, #tpu.memory_space<hbm>> -> memref<10000x128xf32, #tpu.memory_space<hbm>>
        %dma_start3A_68 = arith.constant 0 : i32
        %dma_start3A_69 = arith.constant 0 : i32
        %dma_start3A_70 = tpu.memref_slice %dma_start3A_67[%dma_start3A_68, %dma_start3A_69] : memref<10000x128xf32, #tpu.memory_space<hbm>> -> memref<10000x128xf32, #tpu.memory_space<hbm>>
        tpu.enqueue_indirect_dma source(%dma_start3A_70 : memref<10000x128xf32, #tpu.memory_space<hbm>>) target(%arg12 : memref<128x128xf32, #tpu.memory_space<vmem>>) offsets(%arg8 : memref<128xi32, #tpu.memory_space<vmem>>) semaphore(%arg17 : memref<!tpu.dma_semaphore, #tpu.memory_space<semaphore_mem>>)
        %dma_wait3A_71 = arith.constant 0 : i32
        %dma_wait3A_72 = arith.constant 0 : i32
        %dma_wait3A_73 = tpu.memref_slice %arg13[%dma_wait3A_71, %dma_wait3A_72] : memref<10016x128xf32, #tpu.memory_space<vmem_shared>> -> memref<10016x128xf32, #tpu.memory_space<vmem_shared>>
        tpu.wait_indirect_dma semaphore(%arg18 : memref<!tpu.dma_semaphore, #tpu.memory_space<semaphore_mem>>) src(%arg11 : memref<128x128xf32, #tpu.memory_space<vmem>>) dst(%dma_wait3A_73 : memref<10016x128xf32, #tpu.memory_space<vmem_shared>>)
        %lt3A = arith.constant 78 : i32
        %lt3A_74 = arith.cmpi slt, %scan3A_43, %lt3A : i32
        %convert_element_type3A = arith.extui %lt3A_74 : i1 to i32
        %cond3A = arith.constant 0 : i32
        %cond3A_75 = arith.cmpi ne, %convert_element_type3A, %cond3A : i32
        scf.if %cond3A_75 {
          %add3A_99 = arith.constant 2 : i32
          %add3A_100 = arith.addi %mul3A_45, %add3A_99 : i32
          %mul3A_101 = arith.constant 128 : i32
          %mul3A_102 = arith.muli %add3A_100, %mul3A_101 : i32
          %add3A_103 = arith.addi %mul3A_0, %mul3A_102 : i32
          %dma_start3A_104 = tpu.memref_slice %arg3[%add3A_103] : memref<323584xi32, #tpu.memory_space<hbm>> -> memref<128xi32, #tpu.memory_space<hbm>>
          %dma_start3A_105 = tpu.memref_slice %arg3[%add3A_103] : memref<323584xi32, #tpu.memory_space<hbm>> -> memref<128xi32, #tpu.memory_space<hbm>>
          tpu.enqueue_dma source(%dma_start3A_105 : memref<128xi32, #tpu.memory_space<hbm>>) target(%arg7 : memref<128xi32, #tpu.memory_space<vmem>>) target_semaphore(%arg14 : memref<!tpu.dma_semaphore, #tpu.memory_space<semaphore_mem>>)
          %dma_start3A_106 = tpu.memref_slice %arg4[%add3A_103] : memref<323584xi32, #tpu.memory_space<hbm>> -> memref<128xi32, #tpu.memory_space<hbm>>
          %dma_start3A_107 = tpu.memref_slice %arg4[%add3A_103] : memref<323584xi32, #tpu.memory_space<hbm>> -> memref<128xi32, #tpu.memory_space<hbm>>
          tpu.enqueue_dma source(%dma_start3A_107 : memref<128xi32, #tpu.memory_space<hbm>>) target(%arg9 : memref<128xi32, #tpu.memory_space<vmem>>) target_semaphore(%arg14 : memref<!tpu.dma_semaphore, #tpu.memory_space<semaphore_mem>>)
        } else {
        }
        %dma_wait3A_76 = arith.constant 0 : i32
        %dma_wait3A_77 = arith.constant 0 : i32
        %dma_wait3A_78 = tpu.memref_slice %arg2[%add3A, %dma_wait3A_76, %dma_wait3A_77] : memref<32x10000x128xf32, #tpu.memory_space<hbm>> -> memref<1x10000x128xf32, #tpu.memory_space<hbm>>
        %dma_wait3A_79 = tpu.memref_squeeze %dma_wait3A_78 : memref<1x10000x128xf32, #tpu.memory_space<hbm>> -> memref<10000x128xf32, #tpu.memory_space<hbm>>
        %dma_wait3A_80 = arith.constant 0 : i32
        %dma_wait3A_81 = arith.constant 0 : i32
        %dma_wait3A_82 = tpu.memref_slice %dma_wait3A_79[%dma_wait3A_80, %dma_wait3A_81] : memref<10000x128xf32, #tpu.memory_space<hbm>> -> memref<10000x128xf32, #tpu.memory_space<hbm>>
        tpu.wait_indirect_dma semaphore(%arg17 : memref<!tpu.dma_semaphore, #tpu.memory_space<semaphore_mem>>) src(%dma_wait3A_82 : memref<10000x128xf32, #tpu.memory_space<hbm>>) dst(%arg12 : memref<128x128xf32, #tpu.memory_space<vmem>>)
        %dma_start3A_83 = arith.constant 0 : i32
        %dma_start3A_84 = arith.constant 0 : i32
        %dma_start3A_85 = tpu.memref_slice %arg13[%dma_start3A_83, %dma_start3A_84] : memref<10016x128xf32, #tpu.memory_space<vmem_shared>> -> memref<10016x128xf32, #tpu.memory_space<vmem_shared>>
        tpu.enqueue_indirect_dma source(%arg12 : memref<128x128xf32, #tpu.memory_space<vmem>>) target(%dma_start3A_85 : memref<10016x128xf32, #tpu.memory_space<vmem_shared>>) offsets(%arg10 : memref<128xi32, #tpu.memory_space<vmem>>) semaphore(%arg18 : memref<!tpu.dma_semaphore, #tpu.memory_space<semaphore_mem>>) {add = true}
        %lt3A_86 = arith.constant 78 : i32
        %lt3A_87 = arith.cmpi slt, %scan3A_43, %lt3A_86 : i32
        %convert_element_type3A_88 = arith.extui %lt3A_87 : i1 to i32
        %cond3A_89 = arith.constant 0 : i32
        %cond3A_90 = arith.cmpi ne, %convert_element_type3A_88, %cond3A_89 : i32
        scf.if %cond3A_90 {
          %dma_wait3A_99 = arith.constant 0 : i32
          %dma_wait3A_100 = tpu.memref_slice %arg3[%dma_wait3A_99] : memref<323584xi32, #tpu.memory_space<hbm>> -> memref<128xi32, #tpu.memory_space<hbm>>
          %dma_wait3A_101 = arith.constant 0 : i32
          %dma_wait3A_102 = tpu.memref_slice %arg3[%dma_wait3A_101] : memref<323584xi32, #tpu.memory_space<hbm>> -> memref<128xi32, #tpu.memory_space<hbm>>
          tpu.wait_dma2 semaphore(%arg14 : memref<!tpu.dma_semaphore, #tpu.memory_space<semaphore_mem>>) src(%dma_wait3A_102 : memref<128xi32, #tpu.memory_space<hbm>>) dst(%arg7 : memref<128xi32, #tpu.memory_space<vmem>>)
          %dma_wait3A_103 = arith.constant 0 : i32
          %dma_wait3A_104 = tpu.memref_slice %arg4[%dma_wait3A_103] : memref<323584xi32, #tpu.memory_space<hbm>> -> memref<128xi32, #tpu.memory_space<hbm>>
          %dma_wait3A_105 = arith.constant 0 : i32
          %dma_wait3A_106 = tpu.memref_slice %arg4[%dma_wait3A_105] : memref<323584xi32, #tpu.memory_space<hbm>> -> memref<128xi32, #tpu.memory_space<hbm>>
          tpu.wait_dma2 semaphore(%arg14 : memref<!tpu.dma_semaphore, #tpu.memory_space<semaphore_mem>>) src(%dma_wait3A_106 : memref<128xi32, #tpu.memory_space<hbm>>) dst(%arg9 : memref<128xi32, #tpu.memory_space<vmem>>)
          %dma_start3A_107 = arith.constant 0 : i32
          %dma_start3A_108 = arith.constant 0 : i32
          %dma_start3A_109 = tpu.memref_slice %arg2[%add3A, %dma_start3A_107, %dma_start3A_108] : memref<32x10000x128xf32, #tpu.memory_space<hbm>> -> memref<1x10000x128xf32, #tpu.memory_space<hbm>>
          %dma_start3A_110 = tpu.memref_squeeze %dma_start3A_109 : memref<1x10000x128xf32, #tpu.memory_space<hbm>> -> memref<10000x128xf32, #tpu.memory_space<hbm>>
          %dma_start3A_111 = arith.constant 0 : i32
          %dma_start3A_112 = arith.constant 0 : i32
          %dma_start3A_113 = tpu.memref_slice %dma_start3A_110[%dma_start3A_111, %dma_start3A_112] : memref<10000x128xf32, #tpu.memory_space<hbm>> -> memref<10000x128xf32, #tpu.memory_space<hbm>>
          tpu.enqueue_indirect_dma source(%dma_start3A_113 : memref<10000x128xf32, #tpu.memory_space<hbm>>) target(%arg11 : memref<128x128xf32, #tpu.memory_space<vmem>>) offsets(%arg7 : memref<128xi32, #tpu.memory_space<vmem>>) semaphore(%arg16 : memref<!tpu.dma_semaphore, #tpu.memory_space<semaphore_mem>>)
        } else {
        }
        %dma_wait3A_91 = arith.constant 0 : i32
        %dma_wait3A_92 = arith.constant 0 : i32
        %dma_wait3A_93 = tpu.memref_slice %arg13[%dma_wait3A_91, %dma_wait3A_92] : memref<10016x128xf32, #tpu.memory_space<vmem_shared>> -> memref<10016x128xf32, #tpu.memory_space<vmem_shared>>
        tpu.wait_indirect_dma semaphore(%arg18 : memref<!tpu.dma_semaphore, #tpu.memory_space<semaphore_mem>>) src(%arg12 : memref<128x128xf32, #tpu.memory_space<vmem>>) dst(%dma_wait3A_93 : memref<10016x128xf32, #tpu.memory_space<vmem_shared>>)
        %lt3A_94 = arith.constant 78 : i32
        %lt3A_95 = arith.cmpi slt, %scan3A_43, %lt3A_94 : i32
        %convert_element_type3A_96 = arith.extui %lt3A_95 : i1 to i32
        %cond3A_97 = arith.constant 0 : i32
        %cond3A_98 = arith.cmpi ne, %convert_element_type3A_96, %cond3A_97 : i32
        scf.if %cond3A_98 {
          %add3A_99 = arith.constant 3 : i32
          %add3A_100 = arith.addi %mul3A_45, %add3A_99 : i32
          %mul3A_101 = arith.constant 128 : i32
          %mul3A_102 = arith.muli %add3A_100, %mul3A_101 : i32
          %add3A_103 = arith.addi %mul3A_0, %mul3A_102 : i32
          %dma_start3A_104 = tpu.memref_slice %arg3[%add3A_103] : memref<323584xi32, #tpu.memory_space<hbm>> -> memref<128xi32, #tpu.memory_space<hbm>>
          %dma_start3A_105 = tpu.memref_slice %arg3[%add3A_103] : memref<323584xi32, #tpu.memory_space<hbm>> -> memref<128xi32, #tpu.memory_space<hbm>>
          tpu.enqueue_dma source(%dma_start3A_105 : memref<128xi32, #tpu.memory_space<hbm>>) target(%arg8 : memref<128xi32, #tpu.memory_space<vmem>>) target_semaphore(%arg15 : memref<!tpu.dma_semaphore, #tpu.memory_space<semaphore_mem>>)
          %dma_start3A_106 = tpu.memref_slice %arg4[%add3A_103] : memref<323584xi32, #tpu.memory_space<hbm>> -> memref<128xi32, #tpu.memory_space<hbm>>
          %dma_start3A_107 = tpu.memref_slice %arg4[%add3A_103] : memref<323584xi32, #tpu.memory_space<hbm>> -> memref<128xi32, #tpu.memory_space<hbm>>
          tpu.enqueue_dma source(%dma_start3A_107 : memref<128xi32, #tpu.memory_space<hbm>>) target(%arg10 : memref<128xi32, #tpu.memory_space<vmem>>) target_semaphore(%arg15 : memref<!tpu.dma_semaphore, #tpu.memory_space<semaphore_mem>>)
        } else {
        }
      }
      %scan3A_41 = arith.constant 79 : i32
      %barrier3A_42 = arith.constant 0 : index
      tpu.barrier barrier_id(%barrier3A_42)
      "tpu.region"() ({
        %run_scoped3A = tpu.sem_alloc : memref<!tpu.dma_semaphore, #tpu.memory_space<semaphore_mem>>
        %dma_start3A_43 = arith.constant 0 : i32
        %dma_start3A_44 = arith.constant 0 : i32
        %dma_start3A_45 = arith.constant 0 : i32
        %dma_start3A_46 = tpu.memref_slice %arg6[%add3A, %dma_start3A_43, %dma_start3A_44, %dma_start3A_45] : memref<32x16x625x128xf32, #tpu.memory_space<hbm>> -> memref<1x16x625x128xf32, #tpu.memory_space<hbm>>
        %dma_start3A_47 = tpu.memref_squeeze %dma_start3A_46 : memref<1x16x625x128xf32, #tpu.memory_space<hbm>> -> memref<16x625x128xf32, #tpu.memory_space<hbm>>
        %dma_start3A_48 = arith.constant 0 : i32
        %dma_start3A_49 = arith.constant 0 : i32
        %dma_start3A_50 = tpu.memref_slice %dma_start3A_47[%arg1, %dma_start3A_48, %dma_start3A_49] : memref<16x625x128xf32, #tpu.memory_space<hbm>> -> memref<1x625x128xf32, #tpu.memory_space<hbm>>
        %dma_start3A_51 = tpu.memref_squeeze %dma_start3A_50 : memref<1x625x128xf32, #tpu.memory_space<hbm>> -> memref<625x128xf32, #tpu.memory_space<hbm>>
        %dma_start3A_52 = arith.constant 0 : i32
        %dma_start3A_53 = tpu.memref_slice %arg13[%mul3A_2, %dma_start3A_52] : memref<10016x128xf32, #tpu.memory_space<vmem_shared>> -> memref<625x128xf32, #tpu.memory_space<vmem_shared>>
        tpu.enqueue_dma source(%dma_start3A_53 : memref<625x128xf32, #tpu.memory_space<vmem_shared>>) target(%dma_start3A_51 : memref<625x128xf32, #tpu.memory_space<hbm>>) target_semaphore(%run_scoped3A : memref<!tpu.dma_semaphore, #tpu.memory_space<semaphore_mem>>)
        %dma_wait3A_54 = arith.constant 0 : i32
        %dma_wait3A_55 = arith.constant 0 : i32
        %dma_wait3A_56 = arith.constant 0 : i32
        %dma_wait3A_57 = tpu.memref_slice %arg6[%add3A, %dma_wait3A_54, %dma_wait3A_55, %dma_wait3A_56] : memref<32x16x625x128xf32, #tpu.memory_space<hbm>> -> memref<1x16x625x128xf32, #tpu.memory_space<hbm>>
        %dma_wait3A_58 = tpu.memref_squeeze %dma_wait3A_57 : memref<1x16x625x128xf32, #tpu.memory_space<hbm>> -> memref<16x625x128xf32, #tpu.memory_space<hbm>>
        %dma_wait3A_59 = arith.constant 0 : i32
        %dma_wait3A_60 = arith.constant 0 : i32
        %dma_wait3A_61 = tpu.memref_slice %dma_wait3A_58[%arg1, %dma_wait3A_59, %dma_wait3A_60] : memref<16x625x128xf32, #tpu.memory_space<hbm>> -> memref<1x625x128xf32, #tpu.memory_space<hbm>>
        %dma_wait3A_62 = tpu.memref_squeeze %dma_wait3A_61 : memref<1x625x128xf32, #tpu.memory_space<hbm>> -> memref<625x128xf32, #tpu.memory_space<hbm>>
        %dma_wait3A_63 = arith.constant 0 : i32
        %dma_wait3A_64 = tpu.memref_slice %arg13[%mul3A_2, %dma_wait3A_63] : memref<10016x128xf32, #tpu.memory_space<vmem_shared>> -> memref<625x128xf32, #tpu.memory_space<vmem_shared>>
        tpu.wait_dma2 semaphore(%run_scoped3A : memref<!tpu.dma_semaphore, #tpu.memory_space<semaphore_mem>>) src(%dma_wait3A_64 : memref<625x128xf32, #tpu.memory_space<vmem_shared>>) dst(%dma_wait3A_62 : memref<625x128xf32, #tpu.memory_space<hbm>>)
        tpu.yield
      }) : () -> ()
    }
    %scan3A_7 = arith.constant 16 : i32
    return
  }
}

#map = affine_map<(d0, d1) -> (0, 0, 0)>
#map1 = affine_map<(d0, d1) -> (0)>
#map2 = affine_map<(d0, d1) -> (0, 0)>
#map3 = affine_map<(d0, d1) -> (0, 0, 0, 0)>
module attributes {stable_mosaic.version = 14 : i64} {
  func.func @seg_sum(%arg0: i32, %arg1: i32, %arg2: memref<16x10000x128xf32, #tpu.memory_space<hbm>>, %arg3: memref<323584xi32, #tpu.memory_space<hbm>>, %arg4: memref<323584xi32, #tpu.memory_space<hbm>>, %arg5: memref<625x128xf32, #tpu.memory_space<hbm>>, %arg6: memref<16x16x625x128xf32, #tpu.memory_space<hbm>>, %arg7: memref<128xi32, #tpu.memory_space<vmem>>, %arg8: memref<128xi32, #tpu.memory_space<vmem>>, %arg9: memref<128xi32, #tpu.memory_space<vmem>>, %arg10: memref<128xi32, #tpu.memory_space<vmem>>, %arg11: memref<128x128xf32, #tpu.memory_space<vmem>>, %arg12: memref<128x128xf32, #tpu.memory_space<vmem>>, %arg13: memref<10016x128xf32, #tpu.memory_space<vmem_shared>>, %arg14: memref<!tpu.dma_semaphore, #tpu.memory_space<semaphore_mem>>, %arg15: memref<!tpu.dma_semaphore, #tpu.memory_space<semaphore_mem>>, %arg16: memref<!tpu.dma_semaphore, #tpu.memory_space<semaphore_mem>>, %arg17: memref<!tpu.dma_semaphore, #tpu.memory_space<semaphore_mem>>, %arg18: memref<!tpu.dma_semaphore, #tpu.memory_space<semaphore_mem>>) attributes {dimension_semantics = [#tpu.dimension_semantics<core_parallel>, #tpu.dimension_semantics<subcore_parallel>], iteration_bounds = array<i64: 2, 16>, scalar_prefetch = 0 : i64, scratch_operands = 12 : i64, tpu.core_type = #tpu.core_type<sc_vector_subcore>, window_params = [{transform_indices = #map}, {transform_indices = #map1}, {transform_indices = #map1}, {transform_indices = #map2}, {transform_indices = #map3}]} {
    %mul3A = arith.constant 20224 : i32
    %mul3A_0 = arith.muli %arg1, %mul3A : i32
    %mul3A_1 = arith.constant 625 : i32
    %mul3A_2 = arith.muli %arg1, %mul3A_1 : i32
    %scan3A = arith.constant 0 : i32
    %scan3A_3 = arith.constant 0 : i32
    %scan3A_4 = arith.constant 8 : i32
    %scan3A_5 = arith.addi %scan3A_3, %scan3A_4 : i32
    %scan3A_6 = arith.constant 1 : i32
    scf.for %scan3A_8 = %scan3A_3 to %scan3A_5 step %scan3A_6  : i32 {
      %mul3A_9 = arith.constant 2 : i32
      %mul3A_10 = arith.muli %mul3A_9, %scan3A_8 : i32
      %add3A = arith.addi %mul3A_10, %arg0 : i32
      "tpu.region"() ({
        %run_scoped3A = tpu.sem_alloc : memref<!tpu.dma_semaphore, #tpu.memory_space<semaphore_mem>>
        %dma_start3A_43 = arith.constant 0 : i32
        %dma_start3A_44 = tpu.memref_slice %arg13[%mul3A_2, %dma_start3A_43] : memref<10016x128xf32, #tpu.memory_space<vmem_shared>> -> memref<625x128xf32, #tpu.memory_space<vmem_shared>>
        tpu.enqueue_dma source(%arg5 : memref<625x128xf32, #tpu.memory_space<hbm>>) target(%dma_start3A_44 : memref<625x128xf32, #tpu.memory_space<vmem_shared>>) target_semaphore(%run_scoped3A : memref<!tpu.dma_semaphore, #tpu.memory_space<semaphore_mem>>)
        %dma_wait3A_45 = arith.constant 0 : i32
        %dma_wait3A_46 = tpu.memref_slice %arg13[%mul3A_2, %dma_wait3A_45] : memref<10016x128xf32, #tpu.memory_space<vmem_shared>> -> memref<625x128xf32, #tpu.memory_space<vmem_shared>>
        tpu.wait_dma2 semaphore(%run_scoped3A : memref<!tpu.dma_semaphore, #tpu.memory_space<semaphore_mem>>) src(%arg5 : memref<625x128xf32, #tpu.memory_space<hbm>>) dst(%dma_wait3A_46 : memref<625x128xf32, #tpu.memory_space<vmem_shared>>)
        tpu.yield
      }) : () -> ()
      %barrier3A = arith.constant 0 : index
      tpu.barrier barrier_id(%barrier3A)
      %add3A_11 = arith.constant 0 : i32
      %add3A_12 = arith.addi %mul3A_0, %add3A_11 : i32
      %dma_start3A = tpu.memref_slice %arg3[%add3A_12] : memref<323584xi32, #tpu.memory_space<hbm>> -> memref<128xi32, #tpu.memory_space<hbm>>
      %dma_start3A_13 = tpu.memref_slice %arg3[%add3A_12] : memref<323584xi32, #tpu.memory_space<hbm>> -> memref<128xi32, #tpu.memory_space<hbm>>
      tpu.enqueue_dma source(%dma_start3A_13 : memref<128xi32, #tpu.memory_space<hbm>>) target(%arg7 : memref<128xi32, #tpu.memory_space<vmem>>) target_semaphore(%arg14 : memref<!tpu.dma_semaphore, #tpu.memory_space<semaphore_mem>>)
      %dma_start3A_14 = tpu.memref_slice %arg4[%add3A_12] : memref<323584xi32, #tpu.memory_space<hbm>> -> memref<128xi32, #tpu.memory_space<hbm>>
      %dma_start3A_15 = tpu.memref_slice %arg4[%add3A_12] : memref<323584xi32, #tpu.memory_space<hbm>> -> memref<128xi32, #tpu.memory_space<hbm>>
      tpu.enqueue_dma source(%dma_start3A_15 : memref<128xi32, #tpu.memory_space<hbm>>) target(%arg9 : memref<128xi32, #tpu.memory_space<vmem>>) target_semaphore(%arg14 : memref<!tpu.dma_semaphore, #tpu.memory_space<semaphore_mem>>)
      %dma_wait3A = arith.constant 0 : i32
      %dma_wait3A_16 = tpu.memref_slice %arg3[%dma_wait3A] : memref<323584xi32, #tpu.memory_space<hbm>> -> memref<128xi32, #tpu.memory_space<hbm>>
      %dma_wait3A_17 = arith.constant 0 : i32
      %dma_wait3A_18 = tpu.memref_slice %arg3[%dma_wait3A_17] : memref<323584xi32, #tpu.memory_space<hbm>> -> memref<128xi32, #tpu.memory_space<hbm>>
      tpu.wait_dma2 semaphore(%arg14 : memref<!tpu.dma_semaphore, #tpu.memory_space<semaphore_mem>>) src(%dma_wait3A_18 : memref<128xi32, #tpu.memory_space<hbm>>) dst(%arg7 : memref<128xi32, #tpu.memory_space<vmem>>)
      %dma_wait3A_19 = arith.constant 0 : i32
      %dma_wait3A_20 = tpu.memref_slice %arg4[%dma_wait3A_19] : memref<323584xi32, #tpu.memory_space<hbm>> -> memref<128xi32, #tpu.memory_space<hbm>>
      %dma_wait3A_21 = arith.constant 0 : i32
      %dma_wait3A_22 = tpu.memref_slice %arg4[%dma_wait3A_21] : memref<323584xi32, #tpu.memory_space<hbm>> -> memref<128xi32, #tpu.memory_space<hbm>>
      tpu.wait_dma2 semaphore(%arg14 : memref<!tpu.dma_semaphore, #tpu.memory_space<semaphore_mem>>) src(%dma_wait3A_22 : memref<128xi32, #tpu.memory_space<hbm>>) dst(%arg9 : memref<128xi32, #tpu.memory_space<vmem>>)
      %dma_start3A_23 = arith.constant 0 : i32
      %dma_start3A_24 = arith.constant 0 : i32
      %dma_start3A_25 = tpu.memref_slice %arg2[%add3A, %dma_start3A_23, %dma_start3A_24] : memref<16x10000x128xf32, #tpu.memory_space<hbm>> -> memref<1x10000x128xf32, #tpu.memory_space<hbm>>
      %dma_start3A_26 = tpu.memref_squeeze %dma_start3A_25 : memref<1x10000x128xf32, #tpu.memory_space<hbm>> -> memref<10000x128xf32, #tpu.memory_space<hbm>>
      %dma_start3A_27 = arith.constant 0 : i32
      %dma_start3A_28 = arith.constant 0 : i32
      %dma_start3A_29 = tpu.memref_slice %dma_start3A_26[%dma_start3A_27, %dma_start3A_28] : memref<10000x128xf32, #tpu.memory_space<hbm>> -> memref<10000x128xf32, #tpu.memory_space<hbm>>
      tpu.enqueue_indirect_dma source(%dma_start3A_29 : memref<10000x128xf32, #tpu.memory_space<hbm>>) target(%arg11 : memref<128x128xf32, #tpu.memory_space<vmem>>) offsets(%arg7 : memref<128xi32, #tpu.memory_space<vmem>>) semaphore(%arg16 : memref<!tpu.dma_semaphore, #tpu.memory_space<semaphore_mem>>)
      %add3A_30 = arith.constant 128 : i32
      %add3A_31 = arith.addi %mul3A_0, %add3A_30 : i32
      %dma_start3A_32 = tpu.memref_slice %arg3[%add3A_31] : memref<323584xi32, #tpu.memory_space<hbm>> -> memref<128xi32, #tpu.memory_space<hbm>>
      %dma_start3A_33 = tpu.memref_slice %arg3[%add3A_31] : memref<323584xi32, #tpu.memory_space<hbm>> -> memref<128xi32, #tpu.memory_space<hbm>>
      tpu.enqueue_dma source(%dma_start3A_33 : memref<128xi32, #tpu.memory_space<hbm>>) target(%arg8 : memref<128xi32, #tpu.memory_space<vmem>>) target_semaphore(%arg15 : memref<!tpu.dma_semaphore, #tpu.memory_space<semaphore_mem>>)
      %dma_start3A_34 = tpu.memref_slice %arg4[%add3A_31] : memref<323584xi32, #tpu.memory_space<hbm>> -> memref<128xi32, #tpu.memory_space<hbm>>
      %dma_start3A_35 = tpu.memref_slice %arg4[%add3A_31] : memref<323584xi32, #tpu.memory_space<hbm>> -> memref<128xi32, #tpu.memory_space<hbm>>
      tpu.enqueue_dma source(%dma_start3A_35 : memref<128xi32, #tpu.memory_space<hbm>>) target(%arg10 : memref<128xi32, #tpu.memory_space<vmem>>) target_semaphore(%arg15 : memref<!tpu.dma_semaphore, #tpu.memory_space<semaphore_mem>>)
      %scan3A_36 = arith.constant 0 : i32
      %scan3A_37 = arith.constant 0 : i32
      %scan3A_38 = arith.constant 79 : i32
      %scan3A_39 = arith.addi %scan3A_37, %scan3A_38 : i32
      %scan3A_40 = arith.constant 1 : i32
      scf.for %scan3A_43 = %scan3A_37 to %scan3A_39 step %scan3A_40  : i32 {
        %mul3A_44 = arith.constant 2 : i32
        %mul3A_45 = arith.muli %mul3A_44, %scan3A_43 : i32
        %dma_wait3A_46 = arith.constant 0 : i32
        %dma_wait3A_47 = arith.constant 0 : i32
        %dma_wait3A_48 = tpu.memref_slice %arg2[%add3A, %dma_wait3A_46, %dma_wait3A_47] : memref<16x10000x128xf32, #tpu.memory_space<hbm>> -> memref<1x10000x128xf32, #tpu.memory_space<hbm>>
        %dma_wait3A_49 = tpu.memref_squeeze %dma_wait3A_48 : memref<1x10000x128xf32, #tpu.memory_space<hbm>> -> memref<10000x128xf32, #tpu.memory_space<hbm>>
        %dma_wait3A_50 = arith.constant 0 : i32
        %dma_wait3A_51 = arith.constant 0 : i32
        %dma_wait3A_52 = tpu.memref_slice %dma_wait3A_49[%dma_wait3A_50, %dma_wait3A_51] : memref<10000x128xf32, #tpu.memory_space<hbm>> -> memref<10000x128xf32, #tpu.memory_space<hbm>>
        tpu.wait_indirect_dma semaphore(%arg16 : memref<!tpu.dma_semaphore, #tpu.memory_space<semaphore_mem>>) src(%dma_wait3A_52 : memref<10000x128xf32, #tpu.memory_space<hbm>>) dst(%arg11 : memref<128x128xf32, #tpu.memory_space<vmem>>)
        %dma_start3A_53 = arith.constant 0 : i32
        %dma_start3A_54 = arith.constant 0 : i32
        %dma_start3A_55 = tpu.memref_slice %arg13[%dma_start3A_53, %dma_start3A_54] : memref<10016x128xf32, #tpu.memory_space<vmem_shared>> -> memref<10016x128xf32, #tpu.memory_space<vmem_shared>>
        tpu.enqueue_indirect_dma source(%arg11 : memref<128x128xf32, #tpu.memory_space<vmem>>) target(%dma_start3A_55 : memref<10016x128xf32, #tpu.memory_space<vmem_shared>>) offsets(%arg9 : memref<128xi32, #tpu.memory_space<vmem>>) semaphore(%arg18 : memref<!tpu.dma_semaphore, #tpu.memory_space<semaphore_mem>>) {add = true}
        %dma_wait3A_56 = arith.constant 0 : i32
        %dma_wait3A_57 = tpu.memref_slice %arg3[%dma_wait3A_56] : memref<323584xi32, #tpu.memory_space<hbm>> -> memref<128xi32, #tpu.memory_space<hbm>>
        %dma_wait3A_58 = arith.constant 0 : i32
        %dma_wait3A_59 = tpu.memref_slice %arg3[%dma_wait3A_58] : memref<323584xi32, #tpu.memory_space<hbm>> -> memref<128xi32, #tpu.memory_space<hbm>>
        tpu.wait_dma2 semaphore(%arg15 : memref<!tpu.dma_semaphore, #tpu.memory_space<semaphore_mem>>) src(%dma_wait3A_59 : memref<128xi32, #tpu.memory_space<hbm>>) dst(%arg8 : memref<128xi32, #tpu.memory_space<vmem>>)
        %dma_wait3A_60 = arith.constant 0 : i32
        %dma_wait3A_61 = tpu.memref_slice %arg4[%dma_wait3A_60] : memref<323584xi32, #tpu.memory_space<hbm>> -> memref<128xi32, #tpu.memory_space<hbm>>
        %dma_wait3A_62 = arith.constant 0 : i32
        %dma_wait3A_63 = tpu.memref_slice %arg4[%dma_wait3A_62] : memref<323584xi32, #tpu.memory_space<hbm>> -> memref<128xi32, #tpu.memory_space<hbm>>
        tpu.wait_dma2 semaphore(%arg15 : memref<!tpu.dma_semaphore, #tpu.memory_space<semaphore_mem>>) src(%dma_wait3A_63 : memref<128xi32, #tpu.memory_space<hbm>>) dst(%arg10 : memref<128xi32, #tpu.memory_space<vmem>>)
        %dma_start3A_64 = arith.constant 0 : i32
        %dma_start3A_65 = arith.constant 0 : i32
        %dma_start3A_66 = tpu.memref_slice %arg2[%add3A, %dma_start3A_64, %dma_start3A_65] : memref<16x10000x128xf32, #tpu.memory_space<hbm>> -> memref<1x10000x128xf32, #tpu.memory_space<hbm>>
        %dma_start3A_67 = tpu.memref_squeeze %dma_start3A_66 : memref<1x10000x128xf32, #tpu.memory_space<hbm>> -> memref<10000x128xf32, #tpu.memory_space<hbm>>
        %dma_start3A_68 = arith.constant 0 : i32
        %dma_start3A_69 = arith.constant 0 : i32
        %dma_start3A_70 = tpu.memref_slice %dma_start3A_67[%dma_start3A_68, %dma_start3A_69] : memref<10000x128xf32, #tpu.memory_space<hbm>> -> memref<10000x128xf32, #tpu.memory_space<hbm>>
        tpu.enqueue_indirect_dma source(%dma_start3A_70 : memref<10000x128xf32, #tpu.memory_space<hbm>>) target(%arg12 : memref<128x128xf32, #tpu.memory_space<vmem>>) offsets(%arg8 : memref<128xi32, #tpu.memory_space<vmem>>) semaphore(%arg17 : memref<!tpu.dma_semaphore, #tpu.memory_space<semaphore_mem>>)
        %dma_wait3A_71 = arith.constant 0 : i32
        %dma_wait3A_72 = arith.constant 0 : i32
        %dma_wait3A_73 = tpu.memref_slice %arg13[%dma_wait3A_71, %dma_wait3A_72] : memref<10016x128xf32, #tpu.memory_space<vmem_shared>> -> memref<10016x128xf32, #tpu.memory_space<vmem_shared>>
        tpu.wait_indirect_dma semaphore(%arg18 : memref<!tpu.dma_semaphore, #tpu.memory_space<semaphore_mem>>) src(%arg11 : memref<128x128xf32, #tpu.memory_space<vmem>>) dst(%dma_wait3A_73 : memref<10016x128xf32, #tpu.memory_space<vmem_shared>>)
        %lt3A = arith.constant 78 : i32
        %lt3A_74 = arith.cmpi slt, %scan3A_43, %lt3A : i32
        %convert_element_type3A = arith.extui %lt3A_74 : i1 to i32
        %cond3A = arith.constant 0 : i32
        %cond3A_75 = arith.cmpi ne, %convert_element_type3A, %cond3A : i32
        scf.if %cond3A_75 {
          %add3A_99 = arith.constant 2 : i32
          %add3A_100 = arith.addi %mul3A_45, %add3A_99 : i32
          %mul3A_101 = arith.constant 128 : i32
          %mul3A_102 = arith.muli %add3A_100, %mul3A_101 : i32
          %add3A_103 = arith.addi %mul3A_0, %mul3A_102 : i32
          %dma_start3A_104 = tpu.memref_slice %arg3[%add3A_103] : memref<323584xi32, #tpu.memory_space<hbm>> -> memref<128xi32, #tpu.memory_space<hbm>>
          %dma_start3A_105 = tpu.memref_slice %arg3[%add3A_103] : memref<323584xi32, #tpu.memory_space<hbm>> -> memref<128xi32, #tpu.memory_space<hbm>>
          tpu.enqueue_dma source(%dma_start3A_105 : memref<128xi32, #tpu.memory_space<hbm>>) target(%arg7 : memref<128xi32, #tpu.memory_space<vmem>>) target_semaphore(%arg14 : memref<!tpu.dma_semaphore, #tpu.memory_space<semaphore_mem>>)
          %dma_start3A_106 = tpu.memref_slice %arg4[%add3A_103] : memref<323584xi32, #tpu.memory_space<hbm>> -> memref<128xi32, #tpu.memory_space<hbm>>
          %dma_start3A_107 = tpu.memref_slice %arg4[%add3A_103] : memref<323584xi32, #tpu.memory_space<hbm>> -> memref<128xi32, #tpu.memory_space<hbm>>
          tpu.enqueue_dma source(%dma_start3A_107 : memref<128xi32, #tpu.memory_space<hbm>>) target(%arg9 : memref<128xi32, #tpu.memory_space<vmem>>) target_semaphore(%arg14 : memref<!tpu.dma_semaphore, #tpu.memory_space<semaphore_mem>>)
        } else {
        }
        %dma_wait3A_76 = arith.constant 0 : i32
        %dma_wait3A_77 = arith.constant 0 : i32
        %dma_wait3A_78 = tpu.memref_slice %arg2[%add3A, %dma_wait3A_76, %dma_wait3A_77] : memref<16x10000x128xf32, #tpu.memory_space<hbm>> -> memref<1x10000x128xf32, #tpu.memory_space<hbm>>
        %dma_wait3A_79 = tpu.memref_squeeze %dma_wait3A_78 : memref<1x10000x128xf32, #tpu.memory_space<hbm>> -> memref<10000x128xf32, #tpu.memory_space<hbm>>
        %dma_wait3A_80 = arith.constant 0 : i32
        %dma_wait3A_81 = arith.constant 0 : i32
        %dma_wait3A_82 = tpu.memref_slice %dma_wait3A_79[%dma_wait3A_80, %dma_wait3A_81] : memref<10000x128xf32, #tpu.memory_space<hbm>> -> memref<10000x128xf32, #tpu.memory_space<hbm>>
        tpu.wait_indirect_dma semaphore(%arg17 : memref<!tpu.dma_semaphore, #tpu.memory_space<semaphore_mem>>) src(%dma_wait3A_82 : memref<10000x128xf32, #tpu.memory_space<hbm>>) dst(%arg12 : memref<128x128xf32, #tpu.memory_space<vmem>>)
        %dma_start3A_83 = arith.constant 0 : i32
        %dma_start3A_84 = arith.constant 0 : i32
        %dma_start3A_85 = tpu.memref_slice %arg13[%dma_start3A_83, %dma_start3A_84] : memref<10016x128xf32, #tpu.memory_space<vmem_shared>> -> memref<10016x128xf32, #tpu.memory_space<vmem_shared>>
        tpu.enqueue_indirect_dma source(%arg12 : memref<128x128xf32, #tpu.memory_space<vmem>>) target(%dma_start3A_85 : memref<10016x128xf32, #tpu.memory_space<vmem_shared>>) offsets(%arg10 : memref<128xi32, #tpu.memory_space<vmem>>) semaphore(%arg18 : memref<!tpu.dma_semaphore, #tpu.memory_space<semaphore_mem>>) {add = true}
        %lt3A_86 = arith.constant 78 : i32
        %lt3A_87 = arith.cmpi slt, %scan3A_43, %lt3A_86 : i32
        %convert_element_type3A_88 = arith.extui %lt3A_87 : i1 to i32
        %cond3A_89 = arith.constant 0 : i32
        %cond3A_90 = arith.cmpi ne, %convert_element_type3A_88, %cond3A_89 : i32
        scf.if %cond3A_90 {
          %dma_wait3A_99 = arith.constant 0 : i32
          %dma_wait3A_100 = tpu.memref_slice %arg3[%dma_wait3A_99] : memref<323584xi32, #tpu.memory_space<hbm>> -> memref<128xi32, #tpu.memory_space<hbm>>
          %dma_wait3A_101 = arith.constant 0 : i32
          %dma_wait3A_102 = tpu.memref_slice %arg3[%dma_wait3A_101] : memref<323584xi32, #tpu.memory_space<hbm>> -> memref<128xi32, #tpu.memory_space<hbm>>
          tpu.wait_dma2 semaphore(%arg14 : memref<!tpu.dma_semaphore, #tpu.memory_space<semaphore_mem>>) src(%dma_wait3A_102 : memref<128xi32, #tpu.memory_space<hbm>>) dst(%arg7 : memref<128xi32, #tpu.memory_space<vmem>>)
          %dma_wait3A_103 = arith.constant 0 : i32
          %dma_wait3A_104 = tpu.memref_slice %arg4[%dma_wait3A_103] : memref<323584xi32, #tpu.memory_space<hbm>> -> memref<128xi32, #tpu.memory_space<hbm>>
          %dma_wait3A_105 = arith.constant 0 : i32
          %dma_wait3A_106 = tpu.memref_slice %arg4[%dma_wait3A_105] : memref<323584xi32, #tpu.memory_space<hbm>> -> memref<128xi32, #tpu.memory_space<hbm>>
          tpu.wait_dma2 semaphore(%arg14 : memref<!tpu.dma_semaphore, #tpu.memory_space<semaphore_mem>>) src(%dma_wait3A_106 : memref<128xi32, #tpu.memory_space<hbm>>) dst(%arg9 : memref<128xi32, #tpu.memory_space<vmem>>)
          %dma_start3A_107 = arith.constant 0 : i32
          %dma_start3A_108 = arith.constant 0 : i32
          %dma_start3A_109 = tpu.memref_slice %arg2[%add3A, %dma_start3A_107, %dma_start3A_108] : memref<16x10000x128xf32, #tpu.memory_space<hbm>> -> memref<1x10000x128xf32, #tpu.memory_space<hbm>>
          %dma_start3A_110 = tpu.memref_squeeze %dma_start3A_109 : memref<1x10000x128xf32, #tpu.memory_space<hbm>> -> memref<10000x128xf32, #tpu.memory_space<hbm>>
          %dma_start3A_111 = arith.constant 0 : i32
          %dma_start3A_112 = arith.constant 0 : i32
          %dma_start3A_113 = tpu.memref_slice %dma_start3A_110[%dma_start3A_111, %dma_start3A_112] : memref<10000x128xf32, #tpu.memory_space<hbm>> -> memref<10000x128xf32, #tpu.memory_space<hbm>>
          tpu.enqueue_indirect_dma source(%dma_start3A_113 : memref<10000x128xf32, #tpu.memory_space<hbm>>) target(%arg11 : memref<128x128xf32, #tpu.memory_space<vmem>>) offsets(%arg7 : memref<128xi32, #tpu.memory_space<vmem>>) semaphore(%arg16 : memref<!tpu.dma_semaphore, #tpu.memory_space<semaphore_mem>>)
        } else {
        }
        %dma_wait3A_91 = arith.constant 0 : i32
        %dma_wait3A_92 = arith.constant 0 : i32
        %dma_wait3A_93 = tpu.memref_slice %arg13[%dma_wait3A_91, %dma_wait3A_92] : memref<10016x128xf32, #tpu.memory_space<vmem_shared>> -> memref<10016x128xf32, #tpu.memory_space<vmem_shared>>
        tpu.wait_indirect_dma semaphore(%arg18 : memref<!tpu.dma_semaphore, #tpu.memory_space<semaphore_mem>>) src(%arg12 : memref<128x128xf32, #tpu.memory_space<vmem>>) dst(%dma_wait3A_93 : memref<10016x128xf32, #tpu.memory_space<vmem_shared>>)
        %lt3A_94 = arith.constant 78 : i32
        %lt3A_95 = arith.cmpi slt, %scan3A_43, %lt3A_94 : i32
        %convert_element_type3A_96 = arith.extui %lt3A_95 : i1 to i32
        %cond3A_97 = arith.constant 0 : i32
        %cond3A_98 = arith.cmpi ne, %convert_element_type3A_96, %cond3A_97 : i32
        scf.if %cond3A_98 {
          %add3A_99 = arith.constant 3 : i32
          %add3A_100 = arith.addi %mul3A_45, %add3A_99 : i32
          %mul3A_101 = arith.constant 128 : i32
          %mul3A_102 = arith.muli %add3A_100, %mul3A_101 : i32
          %add3A_103 = arith.addi %mul3A_0, %mul3A_102 : i32
          %dma_start3A_104 = tpu.memref_slice %arg3[%add3A_103] : memref<323584xi32, #tpu.memory_space<hbm>> -> memref<128xi32, #tpu.memory_space<hbm>>
          %dma_start3A_105 = tpu.memref_slice %arg3[%add3A_103] : memref<323584xi32, #tpu.memory_space<hbm>> -> memref<128xi32, #tpu.memory_space<hbm>>
          tpu.enqueue_dma source(%dma_start3A_105 : memref<128xi32, #tpu.memory_space<hbm>>) target(%arg8 : memref<128xi32, #tpu.memory_space<vmem>>) target_semaphore(%arg15 : memref<!tpu.dma_semaphore, #tpu.memory_space<semaphore_mem>>)
          %dma_start3A_106 = tpu.memref_slice %arg4[%add3A_103] : memref<323584xi32, #tpu.memory_space<hbm>> -> memref<128xi32, #tpu.memory_space<hbm>>
          %dma_start3A_107 = tpu.memref_slice %arg4[%add3A_103] : memref<323584xi32, #tpu.memory_space<hbm>> -> memref<128xi32, #tpu.memory_space<hbm>>
          tpu.enqueue_dma source(%dma_start3A_107 : memref<128xi32, #tpu.memory_space<hbm>>) target(%arg10 : memref<128xi32, #tpu.memory_space<vmem>>) target_semaphore(%arg15 : memref<!tpu.dma_semaphore, #tpu.memory_space<semaphore_mem>>)
        } else {
        }
      }
      %scan3A_41 = arith.constant 79 : i32
      %barrier3A_42 = arith.constant 0 : index
      tpu.barrier barrier_id(%barrier3A_42)
      "tpu.region"() ({
        %run_scoped3A = tpu.sem_alloc : memref<!tpu.dma_semaphore, #tpu.memory_space<semaphore_mem>>
        %dma_start3A_43 = arith.constant 0 : i32
        %dma_start3A_44 = arith.constant 0 : i32
        %dma_start3A_45 = arith.constant 0 : i32
        %dma_start3A_46 = tpu.memref_slice %arg6[%add3A, %dma_start3A_43, %dma_start3A_44, %dma_start3A_45] : memref<16x16x625x128xf32, #tpu.memory_space<hbm>> -> memref<1x16x625x128xf32, #tpu.memory_space<hbm>>
        %dma_start3A_47 = tpu.memref_squeeze %dma_start3A_46 : memref<1x16x625x128xf32, #tpu.memory_space<hbm>> -> memref<16x625x128xf32, #tpu.memory_space<hbm>>
        %dma_start3A_48 = arith.constant 0 : i32
        %dma_start3A_49 = arith.constant 0 : i32
        %dma_start3A_50 = tpu.memref_slice %dma_start3A_47[%arg1, %dma_start3A_48, %dma_start3A_49] : memref<16x625x128xf32, #tpu.memory_space<hbm>> -> memref<1x625x128xf32, #tpu.memory_space<hbm>>
        %dma_start3A_51 = tpu.memref_squeeze %dma_start3A_50 : memref<1x625x128xf32, #tpu.memory_space<hbm>> -> memref<625x128xf32, #tpu.memory_space<hbm>>
        %dma_start3A_52 = arith.constant 0 : i32
        %dma_start3A_53 = tpu.memref_slice %arg13[%mul3A_2, %dma_start3A_52] : memref<10016x128xf32, #tpu.memory_space<vmem_shared>> -> memref<625x128xf32, #tpu.memory_space<vmem_shared>>
        tpu.enqueue_dma source(%dma_start3A_53 : memref<625x128xf32, #tpu.memory_space<vmem_shared>>) target(%dma_start3A_51 : memref<625x128xf32, #tpu.memory_space<hbm>>) target_semaphore(%run_scoped3A : memref<!tpu.dma_semaphore, #tpu.memory_space<semaphore_mem>>)
        %dma_wait3A_54 = arith.constant 0 : i32
        %dma_wait3A_55 = arith.constant 0 : i32
        %dma_wait3A_56 = arith.constant 0 : i32
        %dma_wait3A_57 = tpu.memref_slice %arg6[%add3A, %dma_wait3A_54, %dma_wait3A_55, %dma_wait3A_56] : memref<16x16x625x128xf32, #tpu.memory_space<hbm>> -> memref<1x16x625x128xf32, #tpu.memory_space<hbm>>
        %dma_wait3A_58 = tpu.memref_squeeze %dma_wait3A_57 : memref<1x16x625x128xf32, #tpu.memory_space<hbm>> -> memref<16x625x128xf32, #tpu.memory_space<hbm>>
        %dma_wait3A_59 = arith.constant 0 : i32
        %dma_wait3A_60 = arith.constant 0 : i32
        %dma_wait3A_61 = tpu.memref_slice %dma_wait3A_58[%arg1, %dma_wait3A_59, %dma_wait3A_60] : memref<16x625x128xf32, #tpu.memory_space<hbm>> -> memref<1x625x128xf32, #tpu.memory_space<hbm>>
        %dma_wait3A_62 = tpu.memref_squeeze %dma_wait3A_61 : memref<1x625x128xf32, #tpu.memory_space<hbm>> -> memref<625x128xf32, #tpu.memory_space<hbm>>
        %dma_wait3A_63 = arith.constant 0 : i32
        %dma_wait3A_64 = tpu.memref_slice %arg13[%mul3A_2, %dma_wait3A_63] : memref<10016x128xf32, #tpu.memory_space<vmem_shared>> -> memref<625x128xf32, #tpu.memory_space<vmem_shared>>
        tpu.wait_dma2 semaphore(%run_scoped3A : memref<!tpu.dma_semaphore, #tpu.memory_space<semaphore_mem>>) src(%dma_wait3A_64 : memref<625x128xf32, #tpu.memory_space<vmem_shared>>) dst(%dma_wait3A_62 : memref<625x128xf32, #tpu.memory_space<hbm>>)
        tpu.yield
      }) : () -> ()
    }
    %scan3A_7 = arith.constant 8 : i32
    return
  }
}

module attributes {stable_mosaic.version = 14 : i64} {
  func.func @_layer1_body(%arg0: i32, %arg1: i32, %arg2: i32, %arg3: memref<1x2000x128xf32, #tpu.memory_space<vmem>>, %arg4: memref<1x2000x128xf32, #tpu.memory_space<vmem>>, %arg5: memref<128x128xf32, #tpu.memory_space<vmem>>, %arg6: memref<128x128xf32, #tpu.memory_space<vmem>>, %arg7: memref<1x1x128xf32, #tpu.memory_space<vmem>>, %arg8: memref<1x1x2000x128xf32, #tpu.memory_space<vmem>>) attributes {dimension_semantics = [#tpu.dimension_semantics<arbitrary>, #tpu.dimension_semantics<arbitrary>, #tpu.dimension_semantics<arbitrary>], iteration_bounds = array<i64: 16, 5, 2>, scalar_prefetch = 0 : i64, scratch_operands = 0 : i64, tpu.core_type = #tpu.core_type<tc>, window_params = [{transform_indices = @transform_0, window_bounds = array<i64: 1, 2000, 128>}, {transform_indices = @transform_1, window_bounds = array<i64: 1, 2000, 128>}, {transform_indices = @transform_2, window_bounds = array<i64: 128, 128>}, {transform_indices = @transform_3, window_bounds = array<i64: 128, 128>}, {transform_indices = @transform_4, window_bounds = array<i64: 1, 1, 128>}, {transform_indices = @transform_5, window_bounds = array<i64: 1, 1, 2000, 128>}]} {
    %get3A = arith.constant 0 : index
    %get3A_0 = arith.constant 0 : index
    %get3A_1 = arith.constant 0 : index
    %get3A_2 = vector.load %arg4[%get3A, %get3A_0, %get3A_1] : memref<1x2000x128xf32, #tpu.memory_space<vmem>>, vector<1x2000x128xf32>
    %get3A_3 = vector.shape_cast %get3A_2 : vector<1x2000x128xf32> to vector<2000x128xf32>
    %get3A_4 = arith.constant 0 : index
    %get3A_5 = arith.constant 0 : index
    %get3A_6 = arith.constant 0 : index
    %get3A_7 = vector.load %arg3[%get3A_4, %get3A_5, %get3A_6] : memref<1x2000x128xf32, #tpu.memory_space<vmem>>, vector<1x2000x128xf32>
    %get3A_8 = vector.shape_cast %get3A_7 : vector<1x2000x128xf32> to vector<2000x128xf32>
    %get3A_9 = arith.constant 0 : index
    %get3A_10 = arith.constant 0 : index
    %get3A_11 = vector.load %arg5[%get3A_9, %get3A_10] : memref<128x128xf32, #tpu.memory_space<vmem>>, vector<128x128xf32>
    %dot_general3A = arith.constant dense<0.000000e+00> : vector<2000x128xf32>
    %dot_general3A_12 = tpu.matmul %get3A_8, %get3A_11, %dot_general3A {dimension_numbers = #tpu.dot_dimension_numbers<[1], [0], [0], [1], [0, 0, 1, 1], [], []>, transpose_lhs_hint = false} : vector<2000x128xf32>, vector<128x128xf32>, vector<2000x128xf32> -> vector<2000x128xf32>
    %get3A_13 = arith.constant 0 : index
    %get3A_14 = arith.constant 0 : index
    %get3A_15 = vector.load %arg6[%get3A_13, %get3A_14] : memref<128x128xf32, #tpu.memory_space<vmem>>, vector<128x128xf32>
    %dot_general3A_16 = arith.constant dense<0.000000e+00> : vector<2000x128xf32>
    %dot_general3A_17 = tpu.matmul %get3A_3, %get3A_15, %dot_general3A_16 {dimension_numbers = #tpu.dot_dimension_numbers<[1], [0], [0], [1], [0, 0, 1, 1], [], []>, transpose_lhs_hint = false} : vector<2000x128xf32>, vector<128x128xf32>, vector<2000x128xf32> -> vector<2000x128xf32>
    %add3A = arith.addf %dot_general3A_12, %dot_general3A_17 : vector<2000x128xf32>
    %get3A_18 = arith.constant 0 : index
    %get3A_19 = arith.constant 0 : index
    %get3A_20 = arith.constant 0 : index
    %get3A_21 = vector.load %arg7[%get3A_18, %get3A_19, %get3A_20] : memref<1x1x128xf32, #tpu.memory_space<vmem>>, vector<1x1x128xf32>
    %get3A_22 = vector.shape_cast %get3A_21 : vector<1x1x128xf32> to vector<1x128xf32>
    %add3A_23 = vector.broadcast %get3A_22 : vector<1x128xf32> to vector<2000x128xf32>
    %add3A_24 = arith.addf %add3A, %add3A_23 : vector<2000x128xf32>
    %max3A = arith.constant 0.000000e+00 : f32
    %max3A_25 = vector.broadcast %max3A : f32 to vector<2000x128xf32>
    %max3A_26 = arith.maximumf %add3A_24, %max3A_25 : vector<2000x128xf32>
    %swap3A = arith.constant 0 : index
    %swap3A_27 = arith.constant 0 : index
    %swap3A_28 = arith.constant 0 : index
    %swap3A_29 = arith.constant 0 : index
    %swap3A_30 = vector.load %arg8[%swap3A, %swap3A_27, %swap3A_28, %swap3A_29] : memref<1x1x2000x128xf32, #tpu.memory_space<vmem>>, vector<1x1x2000x128xf32>
    %swap3A_31 = vector.shape_cast %swap3A_30 : vector<1x1x2000x128xf32> to vector<2000x128xf32>
    %swap3A_32 = vector.shape_cast %max3A_26 : vector<2000x128xf32> to vector<1x1x2000x128xf32>
    tpu.vector_store %arg8[%swap3A, %swap3A_27, %swap3A_28, %swap3A_29], %swap3A_32 {strides = array<i32>} : memref<1x1x2000x128xf32, #tpu.memory_space<vmem>>, vector<1x1x2000x128xf32>,
    return
  }
  func.func @transform_0(%arg0: i32, %arg1: i32, %arg2: i32) -> (i32, i32, i32) {
    %c0_i32 = arith.constant 0 : i32
    %c0_i32_0 = arith.constant 0 : i32
    return %arg0, %arg1, %c0_i32 : i32, i32, i32
  }
  func.func @transform_1(%arg0: i32, %arg1: i32, %arg2: i32) -> (i32, i32, i32) {
    %c0_i32 = arith.constant 0 : i32
    %c0_i32_0 = arith.constant 0 : i32
    return %arg0, %arg1, %c0_i32 : i32, i32, i32
  }
  func.func @transform_2(%arg0: i32, %arg1: i32, %arg2: i32) -> (i32, i32) {
    %c0_i32 = arith.constant 0 : i32
    %c0_i32_0 = arith.constant 0 : i32
    return %c0_i32, %arg2 : i32, i32
  }
  func.func @transform_3(%arg0: i32, %arg1: i32, %arg2: i32) -> (i32, i32) {
    %c0_i32 = arith.constant 0 : i32
    %c0_i32_0 = arith.constant 0 : i32
    return %c0_i32, %arg2 : i32, i32
  }
  func.func @transform_4(%arg0: i32, %arg1: i32, %arg2: i32) -> (i32, i32, i32) {
    %c0_i32 = arith.constant 0 : i32
    %c0_i32_0 = arith.constant 0 : i32
    %c0_i32_1 = arith.constant 0 : i32
    return %arg2, %c0_i32, %c0_i32_0 : i32, i32, i32
  }
  func.func @transform_5(%arg0: i32, %arg1: i32, %arg2: i32) -> (i32, i32, i32, i32) {
    %c0_i32 = arith.constant 0 : i32
    %c0_i32_0 = arith.constant 0 : i32
    return %arg2, %arg0, %arg1, %c0_i32 : i32, i32, i32, i32
  }
}

module attributes {stable_mosaic.version = 14 : i64} {
  func.func @_layer2_body(%arg0: i32, %arg1: i32, %arg2: memref<1x1x2000x128xf32, #tpu.memory_space<vmem>>, %arg3: memref<1x1x2000x128xf32, #tpu.memory_space<vmem>>, %arg4: memref<1x2000x128xf32, #tpu.memory_space<vmem>>, %arg5: memref<1x2000x128xf32, #tpu.memory_space<vmem>>, %arg6: memref<256x256xf32, #tpu.memory_space<vmem>>, %arg7: memref<256x256xf32, #tpu.memory_space<vmem>>, %arg8: memref<1x256xf32, #tpu.memory_space<vmem>>, %arg9: memref<1x1x256xf32, #tpu.memory_space<vmem>>) attributes {dimension_semantics = [#tpu.dimension_semantics<arbitrary>, #tpu.dimension_semantics<arbitrary>], iteration_bounds = array<i64: 16, 5>, scalar_prefetch = 0 : i64, scratch_operands = 0 : i64, tpu.core_type = #tpu.core_type<tc>, window_params = [{transform_indices = @transform_0, window_bounds = array<i64: 1, 1, 2000, 128>}, {transform_indices = @transform_1, window_bounds = array<i64: 1, 1, 2000, 128>}, {transform_indices = @transform_2, window_bounds = array<i64: 1, 2000, 128>}, {transform_indices = @transform_3, window_bounds = array<i64: 1, 2000, 128>}, {pipeline_mode = #tpu.pipeline_mode<synchronous>, transform_indices = @transform_4, window_bounds = array<i64: 256, 256>}, {pipeline_mode = #tpu.pipeline_mode<synchronous>, transform_indices = @transform_5, window_bounds = array<i64: 256, 256>}, {pipeline_mode = #tpu.pipeline_mode<synchronous>, transform_indices = @transform_6, window_bounds = array<i64: 1, 256>}, {transform_indices = @transform_7, window_bounds = array<i64: 1, 1, 256>}]} {
    %get3A = arith.constant 0 : index
    %get3A_0 = arith.constant 0 : index
    %get3A_1 = arith.constant 0 : index
    %get3A_2 = arith.constant 0 : index
    %get3A_3 = vector.load %arg2[%get3A, %get3A_0, %get3A_1, %get3A_2] : memref<1x1x2000x128xf32, #tpu.memory_space<vmem>>, vector<1x1x2000x128xf32>
    %get3A_4 = vector.shape_cast %get3A_3 : vector<1x1x2000x128xf32> to vector<2000x128xf32>
    %get3A_5 = arith.constant 0 : index
    %get3A_6 = arith.constant 0 : index
    %get3A_7 = arith.constant 0 : index
    %get3A_8 = arith.constant 0 : index
    %get3A_9 = vector.load %arg3[%get3A_5, %get3A_6, %get3A_7, %get3A_8] : memref<1x1x2000x128xf32, #tpu.memory_space<vmem>>, vector<1x1x2000x128xf32>
    %get3A_10 = vector.shape_cast %get3A_9 : vector<1x1x2000x128xf32> to vector<2000x128xf32>
    %get3A_11 = arith.constant 0 : index
    %get3A_12 = arith.constant 0 : index
    %get3A_13 = arith.constant 0 : index
    %get3A_14 = vector.load %arg4[%get3A_11, %get3A_12, %get3A_13] : memref<1x2000x128xf32, #tpu.memory_space<vmem>>, vector<1x2000x128xf32>
    %get3A_15 = vector.shape_cast %get3A_14 : vector<1x2000x128xf32> to vector<2000x128xf32>
    %get3A_16 = arith.constant 0 : index
    %get3A_17 = arith.constant 0 : index
    %get3A_18 = arith.constant 0 : index
    %get3A_19 = vector.load %arg5[%get3A_16, %get3A_17, %get3A_18] : memref<1x2000x128xf32, #tpu.memory_space<vmem>>, vector<1x2000x128xf32>
    %get3A_20 = vector.shape_cast %get3A_19 : vector<1x2000x128xf32> to vector<2000x128xf32>
    %get3A_21 = arith.constant 0 : index
    %get3A_22 = arith.constant 0 : index
    %get3A_23 = vector.load %arg6[%get3A_21, %get3A_22] : memref<256x256xf32, #tpu.memory_space<vmem>>, vector<128x256xf32>
    %dot_general3A = arith.constant dense<0.000000e+00> : vector<2000x256xf32>
    %dot_general3A_24 = tpu.matmul %get3A_4, %get3A_23, %dot_general3A {dimension_numbers = #tpu.dot_dimension_numbers<[1], [0], [0], [1], [0, 0, 1, 1], [], []>, transpose_lhs_hint = false} : vector<2000x128xf32>, vector<128x256xf32>, vector<2000x256xf32> -> vector<2000x256xf32>
    %get3A_25 = arith.constant 128 : index
    %get3A_26 = arith.constant 0 : index
    %get3A_27 = vector.load %arg6[%get3A_25, %get3A_26] : memref<256x256xf32, #tpu.memory_space<vmem>>, vector<128x256xf32>
    %dot_general3A_28 = arith.constant dense<0.000000e+00> : vector<2000x256xf32>
    %dot_general3A_29 = tpu.matmul %get3A_10, %get3A_27, %dot_general3A_28 {dimension_numbers = #tpu.dot_dimension_numbers<[1], [0], [0], [1], [0, 0, 1, 1], [], []>, transpose_lhs_hint = false} : vector<2000x128xf32>, vector<128x256xf32>, vector<2000x256xf32> -> vector<2000x256xf32>
    %add3A = arith.addf %dot_general3A_24, %dot_general3A_29 : vector<2000x256xf32>
    %get3A_30 = arith.constant 0 : index
    %get3A_31 = arith.constant 0 : index
    %get3A_32 = vector.load %arg7[%get3A_30, %get3A_31] : memref<256x256xf32, #tpu.memory_space<vmem>>, vector<128x256xf32>
    %dot_general3A_33 = arith.constant dense<0.000000e+00> : vector<2000x256xf32>
    %dot_general3A_34 = tpu.matmul %get3A_15, %get3A_32, %dot_general3A_33 {dimension_numbers = #tpu.dot_dimension_numbers<[1], [0], [0], [1], [0, 0, 1, 1], [], []>, transpose_lhs_hint = false} : vector<2000x128xf32>, vector<128x256xf32>, vector<2000x256xf32> -> vector<2000x256xf32>
    %add3A_35 = arith.addf %add3A, %dot_general3A_34 : vector<2000x256xf32>
    %get3A_36 = arith.constant 128 : index
    %get3A_37 = arith.constant 0 : index
    %get3A_38 = vector.load %arg7[%get3A_36, %get3A_37] : memref<256x256xf32, #tpu.memory_space<vmem>>, vector<128x256xf32>
    %dot_general3A_39 = arith.constant dense<0.000000e+00> : vector<2000x256xf32>
    %dot_general3A_40 = tpu.matmul %get3A_20, %get3A_38, %dot_general3A_39 {dimension_numbers = #tpu.dot_dimension_numbers<[1], [0], [0], [1], [0, 0, 1, 1], [], []>, transpose_lhs_hint = false} : vector<2000x128xf32>, vector<128x256xf32>, vector<2000x256xf32> -> vector<2000x256xf32>
    %add3A_41 = arith.addf %add3A_35, %dot_general3A_40 : vector<2000x256xf32>
    %get3A_42 = arith.constant 0 : index
    %get3A_43 = arith.constant 0 : index
    %get3A_44 = vector.load %arg8[%get3A_42, %get3A_43] : memref<1x256xf32, #tpu.memory_space<vmem>>, vector<1x256xf32>
    %add3A_45 = vector.broadcast %get3A_44 : vector<1x256xf32> to vector<2000x256xf32>
    %add3A_46 = arith.addf %add3A_41, %add3A_45 : vector<2000x256xf32>
    %max3A = arith.constant 0.000000e+00 : f32
    %max3A_47 = vector.broadcast %max3A : f32 to vector<2000x256xf32>
    %max3A_48 = arith.maximumf %add3A_46, %max3A_47 : vector<2000x256xf32>
    %reduce_sum3A = arith.constant dense<0.000000e+00> : vector<256xf32>
    %reduce_sum3A_49 = vector.multi_reduction <add>, %max3A_48, %reduce_sum3A [0] : vector<2000x256xf32> to vector<256xf32>
    %broadcast_in_dim3A = vector.shape_cast %reduce_sum3A_49 : vector<256xf32> to vector<1x256xf32>
    %mul3A = arith.constant 9.99999974E-5 : f32
    %mul3A_50 = vector.broadcast %mul3A : f32 to vector<1x256xf32>
    %mul3A_51 = arith.mulf %broadcast_in_dim3A, %mul3A_50 : vector<1x256xf32>
    %eq3A = arith.constant 0 : i32
    %eq3A_52 = arith.cmpi eq, %arg1, %eq3A : i32
    %convert_element_type3A = arith.extui %eq3A_52 : i1 to i32
    %cond3A = arith.constant 0 : i32
    %cond3A_53 = arith.cmpi ne, %convert_element_type3A, %cond3A : i32
    scf.if %cond3A_53 {
      %swap3A = arith.constant 0 : index
      %swap3A_58 = arith.constant 0 : index
      %swap3A_59 = arith.constant 0 : index
      %swap3A_60 = vector.load %arg9[%swap3A, %swap3A_58, %swap3A_59] : memref<1x1x256xf32, #tpu.memory_space<vmem>>, vector<1x1x256xf32>
      %swap3A_61 = vector.shape_cast %swap3A_60 : vector<1x1x256xf32> to vector<1x256xf32>
      %swap3A_62 = vector.shape_cast %mul3A_51 : vector<1x256xf32> to vector<1x1x256xf32>
      tpu.vector_store %arg9[%swap3A, %swap3A_58, %swap3A_59], %swap3A_62 {strides = array<i32>} : memref<1x1x256xf32, #tpu.memory_space<vmem>>, vector<1x1x256xf32>,
    } else {
    }
    %ne3A = arith.constant 0 : i32
    %ne3A_54 = arith.cmpi ne, %arg1, %ne3A : i32
    %convert_element_type3A_55 = arith.extui %ne3A_54 : i1 to i32
    %cond3A_56 = arith.constant 0 : i32
    %cond3A_57 = arith.cmpi ne, %convert_element_type3A_55, %cond3A_56 : i32
    scf.if %cond3A_57 {
      %get3A_58 = arith.constant 0 : index
      %get3A_59 = arith.constant 0 : index
      %get3A_60 = arith.constant 0 : index
      %get3A_61 = vector.load %arg9[%get3A_58, %get3A_59, %get3A_60] : memref<1x1x256xf32, #tpu.memory_space<vmem>>, vector<1x1x256xf32>
      %get3A_62 = vector.shape_cast %get3A_61 : vector<1x1x256xf32> to vector<1x256xf32>
      %add3A_63 = arith.addf %get3A_62, %mul3A_51 : vector<1x256xf32>
      %swap3A = arith.constant 0 : index
      %swap3A_64 = arith.constant 0 : index
      %swap3A_65 = arith.constant 0 : index
      %swap3A_66 = vector.load %arg9[%swap3A, %swap3A_64, %swap3A_65] : memref<1x1x256xf32, #tpu.memory_space<vmem>>, vector<1x1x256xf32>
      %swap3A_67 = vector.shape_cast %swap3A_66 : vector<1x1x256xf32> to vector<1x256xf32>
      %swap3A_68 = vector.shape_cast %add3A_63 : vector<1x256xf32> to vector<1x1x256xf32>
      tpu.vector_store %arg9[%swap3A, %swap3A_64, %swap3A_65], %swap3A_68 {strides = array<i32>} : memref<1x1x256xf32, #tpu.memory_space<vmem>>, vector<1x1x256xf32>,
    } else {
    }
    return
  }
  func.func @transform_0(%arg0: i32, %arg1: i32) -> (i32, i32, i32, i32) {
    %c0_i32 = arith.constant 0 : i32
    %c0_i32_0 = arith.constant 0 : i32
    %c0_i32_1 = arith.constant 0 : i32
    return %c0_i32, %arg0, %arg1, %c0_i32_0 : i32, i32, i32, i32
  }
  func.func @transform_1(%arg0: i32, %arg1: i32) -> (i32, i32, i32, i32) {
    %c1_i32 = arith.constant 1 : i32
    %c0_i32 = arith.constant 0 : i32
    %c0_i32_0 = arith.constant 0 : i32
    return %c1_i32, %arg0, %arg1, %c0_i32 : i32, i32, i32, i32
  }
  func.func @transform_2(%arg0: i32, %arg1: i32) -> (i32, i32, i32) {
    %c0_i32 = arith.constant 0 : i32
    %c0_i32_0 = arith.constant 0 : i32
    return %arg0, %arg1, %c0_i32 : i32, i32, i32
  }
  func.func @transform_3(%arg0: i32, %arg1: i32) -> (i32, i32, i32) {
    %add3A = arith.constant 16 : i32
    %add3A_0 = arith.addi %arg0, %add3A : i32
    %c0_i32 = arith.constant 0 : i32
    %c0_i32_1 = arith.constant 0 : i32
    return %add3A_0, %arg1, %c0_i32 : i32, i32, i32
  }
  func.func @transform_4(%arg0: i32, %arg1: i32) -> (i32, i32) {
    %c0_i32 = arith.constant 0 : i32
    %c0_i32_0 = arith.constant 0 : i32
    %c0_i32_1 = arith.constant 0 : i32
    return %c0_i32, %c0_i32_0 : i32, i32
  }
  func.func @transform_5(%arg0: i32, %arg1: i32) -> (i32, i32) {
    %c0_i32 = arith.constant 0 : i32
    %c0_i32_0 = arith.constant 0 : i32
    %c0_i32_1 = arith.constant 0 : i32
    return %c0_i32, %c0_i32_0 : i32, i32
  }
  func.func @transform_6(%arg0: i32, %arg1: i32) -> (i32, i32) {
    %c0_i32 = arith.constant 0 : i32
    %c0_i32_0 = arith.constant 0 : i32
    %c0_i32_1 = arith.constant 0 : i32
    return %c0_i32, %c0_i32_0 : i32, i32
  }
  func.func @transform_7(%arg0: i32, %arg1: i32) -> (i32, i32, i32) {
    %c0_i32 = arith.constant 0 : i32
    %c0_i32_0 = arith.constant 0 : i32
    %c0_i32_1 = arith.constant 0 : i32
    return %arg0, %c0_i32, %c0_i32_0 : i32, i32, i32
  }
}

module attributes {stable_mosaic.version = 14 : i64} {
  func.func @_lstm_body(%arg0: memref<16x256xf32, #tpu.memory_space<vmem>>, %arg1: memref<256x1024xf32, #tpu.memory_space<vmem>>, %arg2: memref<256x1024xf32, #tpu.memory_space<vmem>>, %arg3: memref<1x1024xf32, #tpu.memory_space<vmem>>, %arg4: memref<256x128xf32, #tpu.memory_space<vmem>>, %arg5: memref<1x128xf32, #tpu.memory_space<vmem>>, %arg6: memref<1x128xf32, #tpu.memory_space<vmem>>) attributes {dimension_semantics = [], scalar_prefetch = 0 : i64, scratch_operands = 0 : i64, tpu.core_type = #tpu.core_type<tc>} {
    %get3A = arith.constant 0 : index
    %get3A_0 = arith.constant 0 : index
    %get3A_1 = vector.load %arg0[%get3A, %get3A_0] : memref<16x256xf32, #tpu.memory_space<vmem>>, vector<16x256xf32>
    %get3A_2 = arith.constant 0 : index
    %get3A_3 = arith.constant 0 : index
    %get3A_4 = vector.load %arg1[%get3A_2, %get3A_3] : memref<256x1024xf32, #tpu.memory_space<vmem>>, vector<256x1024xf32>
    %dot_general3A = arith.constant dense<0.000000e+00> : vector<16x1024xf32>
    %dot_general3A_5 = tpu.matmul %get3A_1, %get3A_4, %dot_general3A {dimension_numbers = #tpu.dot_dimension_numbers<[1], [0], [0], [1], [0, 0, 1, 1], [], []>, transpose_lhs_hint = false} : vector<16x256xf32>, vector<256x1024xf32>, vector<16x1024xf32> -> vector<16x1024xf32>
    %get3A_6 = arith.constant 0 : index
    %get3A_7 = arith.constant 0 : index
    %get3A_8 = vector.load %arg3[%get3A_6, %get3A_7] : memref<1x1024xf32, #tpu.memory_space<vmem>>, vector<1x1024xf32>
    %add3A = vector.broadcast %get3A_8 : vector<1x1024xf32> to vector<16x1024xf32>
    %add3A_9 = arith.addf %dot_general3A_5, %add3A : vector<16x1024xf32>
    %broadcast_in_dim3A = arith.constant 0.000000e+00 : f32
    %broadcast_in_dim3A_10 = vector.broadcast %broadcast_in_dim3A : f32 to vector<1x256xf32>
    %broadcast_in_dim3A_11 = arith.constant 0.000000e+00 : f32
    %broadcast_in_dim3A_12 = vector.broadcast %broadcast_in_dim3A_11 : f32 to vector<1x256xf32>
    %scan3A = arith.constant 0 : i32
    %scan3A_13 = arith.constant 16 : i32
    %scan3A_14 = arith.addi %scan3A, %scan3A_13 : i32
    %scan3A_15 = arith.constant 1 : i32
    %scan3A_16:2 = scf.for %scan3A_29 = %scan3A to %scan3A_14 step %scan3A_15 iter_args(%scan3A_30 = %broadcast_in_dim3A_10, %scan3A_31 = %broadcast_in_dim3A_12) -> (vector<1x256xf32>, vector<1x256xf32>)  : i32 {
      %iota3A = tpu.iota {dimensions = array<i32: 1>} : vector<1x16xi32>
      %eq3A = vector.broadcast %scan3A_29 : i32 to vector<1x16xi32>
      %eq3A_32 = arith.cmpi eq, %iota3A, %eq3A : vector<1x16xi32>
      %convert_element_type3A = arith.extui %eq3A_32 : vector<1x16xi1> to vector<1x16xi32>
      %convert_element_type3A_33 = arith.sitofp %convert_element_type3A : vector<1x16xi32> to vector<1x16xf32>
      %dot_general3A_34 = arith.constant dense<0.000000e+00> : vector<1x1024xf32>
      %dot_general3A_35 = tpu.matmul %convert_element_type3A_33, %add3A_9, %dot_general3A_34 {dimension_numbers = #tpu.dot_dimension_numbers<[1], [0], [0], [1], [0, 0, 1, 1], [], []>, transpose_lhs_hint = false} : vector<1x16xf32>, vector<16x1024xf32>, vector<1x1024xf32> -> vector<1x1024xf32>
      %get3A_36 = arith.constant 0 : index
      %get3A_37 = arith.constant 0 : index
      %get3A_38 = vector.load %arg2[%get3A_36, %get3A_37] : memref<256x1024xf32, #tpu.memory_space<vmem>>, vector<256x1024xf32>
      %dot_general3A_39 = arith.constant dense<0.000000e+00> : vector<1x1024xf32>
      %dot_general3A_40 = tpu.matmul %scan3A_30, %get3A_38, %dot_general3A_39 {dimension_numbers = #tpu.dot_dimension_numbers<[1], [0], [0], [1], [0, 0, 1, 1], [], []>, transpose_lhs_hint = false} : vector<1x256xf32>, vector<256x1024xf32>, vector<1x1024xf32> -> vector<1x1024xf32>
      %add3A_41 = arith.addf %dot_general3A_35, %dot_general3A_40 : vector<1x1024xf32>
      %slice3A = vector.extract_strided_slice %add3A_41 {offsets = [0, 0], sizes = [1, 256], strides = [1, 1]} : vector<1x1024xf32> to vector<1x256xf32>
      %logistic3A = arith.negf %slice3A : vector<1x256xf32>
      %logistic3A_42 = math.exp %logistic3A : vector<1x256xf32>
      %logistic3A_43 = arith.constant 1.000000e+00 : f32
      %logistic3A_44 = vector.broadcast %logistic3A_43 : f32 to vector<1x256xf32>
      %logistic3A_45 = arith.addf %logistic3A_44, %logistic3A_42 : vector<1x256xf32>
      %logistic3A_46 = arith.divf %logistic3A_44, %logistic3A_45 : vector<1x256xf32>
      %slice3A_47 = vector.extract_strided_slice %add3A_41 {offsets = [0, 256], sizes = [1, 256], strides = [1, 1]} : vector<1x1024xf32> to vector<1x256xf32>
      %logistic3A_48 = arith.negf %slice3A_47 : vector<1x256xf32>
      %logistic3A_49 = math.exp %logistic3A_48 : vector<1x256xf32>
      %logistic3A_50 = arith.constant 1.000000e+00 : f32
      %logistic3A_51 = vector.broadcast %logistic3A_50 : f32 to vector<1x256xf32>
      %logistic3A_52 = arith.addf %logistic3A_51, %logistic3A_49 : vector<1x256xf32>
      %logistic3A_53 = arith.divf %logistic3A_51, %logistic3A_52 : vector<1x256xf32>
      %slice3A_54 = vector.extract_strided_slice %add3A_41 {offsets = [0, 512], sizes = [1, 256], strides = [1, 1]} : vector<1x1024xf32> to vector<1x256xf32>
      %tanh3A = math.tanh %slice3A_54 : vector<1x256xf32>
      %slice3A_55 = vector.extract_strided_slice %add3A_41 {offsets = [0, 768], sizes = [1, 256], strides = [1, 1]} : vector<1x1024xf32> to vector<1x256xf32>
      %logistic3A_56 = arith.negf %slice3A_55 : vector<1x256xf32>
      %logistic3A_57 = math.exp %logistic3A_56 : vector<1x256xf32>
      %logistic3A_58 = arith.constant 1.000000e+00 : f32
      %logistic3A_59 = vector.broadcast %logistic3A_58 : f32 to vector<1x256xf32>
      %logistic3A_60 = arith.addf %logistic3A_59, %logistic3A_57 : vector<1x256xf32>
      %logistic3A_61 = arith.divf %logistic3A_59, %logistic3A_60 : vector<1x256xf32>
      %mul3A = arith.mulf %logistic3A_53, %scan3A_31 : vector<1x256xf32>
      %mul3A_62 = arith.mulf %logistic3A_46, %tanh3A : vector<1x256xf32>
      %add3A_63 = arith.addf %mul3A, %mul3A_62 : vector<1x256xf32>
      %tanh3A_64 = math.tanh %add3A_63 : vector<1x256xf32>
      %mul3A_65 = arith.mulf %logistic3A_61, %tanh3A_64 : vector<1x256xf32>
      scf.yield %mul3A_65, %add3A_63 : vector<1x256xf32>, vector<1x256xf32>
    }
    %scan3A_17 = arith.constant 16 : i32
    %get3A_18 = arith.constant 0 : index
    %get3A_19 = arith.constant 0 : index
    %get3A_20 = vector.load %arg4[%get3A_18, %get3A_19] : memref<256x128xf32, #tpu.memory_space<vmem>>, vector<256x128xf32>
    %dot_general3A_21 = arith.constant dense<0.000000e+00> : vector<1x128xf32>
    %dot_general3A_22 = tpu.matmul %scan3A_16#0, %get3A_20, %dot_general3A_21 {dimension_numbers = #tpu.dot_dimension_numbers<[1], [0], [0], [1], [0, 0, 1, 1], [], []>, transpose_lhs_hint = false} : vector<1x256xf32>, vector<256x128xf32>, vector<1x128xf32> -> vector<1x128xf32>
    %get3A_23 = arith.constant 0 : index
    %get3A_24 = arith.constant 0 : index
    %get3A_25 = vector.load %arg5[%get3A_23, %get3A_24] : memref<1x128xf32, #tpu.memory_space<vmem>>, vector<1x128xf32>
    %add3A_26 = arith.addf %dot_general3A_22, %get3A_25 : vector<1x128xf32>
    %swap3A = arith.constant 0 : index
    %swap3A_27 = arith.constant 0 : index
    %swap3A_28 = vector.load %arg6[%swap3A, %swap3A_27] : memref<1x128xf32, #tpu.memory_space<vmem>>, vector<1x128xf32>
    tpu.vector_store %arg6[%swap3A, %swap3A_27], %add3A_26 {strides = array<i32>} : memref<1x128xf32, #tpu.memory_space<vmem>>, vector<1x128xf32>,
    return
  }
}

</mosaic_0001>

<sc_bundles>
// kernel: kernel.10.cloned.1.call-start
scs
__scs_entry_jumppad:
0x0: {  	(pc) =	sbr.rel $0x88, $3  }
0x1: {  	(tag) =	ssettag $0x0;
	lr =	simm.s32 $0x1  }
0x2: {  	[smem:$0x3F93] =	sst lr;
	_ =	strace $0xD0000000  }
0x3: {  	_ = 	snop  }
0x4: {  	_ = 	snop  }
0x5: {  	_ = 	snop  }
0x6: {  	_ = 	snop  }
0x7: {  	_ = 	snop  }
__scs_overlays_trampoline_lowered:
0x8: {  	[smem:$0x3FA2] =	sst s0  }
0x9: {  	[smem:$0x3FA3] =	sst s1  }
0xa: {  	[smem:$0x3FA4] =	sst s2  }
0xb: {  	[smem:$0x3FA5] =	sst s3  }
0xc: {  	[smem:$0x3FA6] =	sst s4  }
0xd: {  	[smem:$0x3FA7] =	sst s5  }
0xe: {  	[smem:$0x3FA8] =	sst s6  }
0xf: {  	[smem:$0x3FA9] =	sst s7  }
0x10: {  	[smem:$0x3FAA] =	sst s8  }
0x11: {  	[smem:$0x3FAB] =	sst s9;
	s0 =	simm.s32 @!p0 $0x0  }
0x12: {  	s1 =	sld [smem:$0x3F91];
	s0 =	simm.s32 @p0 $0x1  }
0x13: {  	[smem:$0x3FAC] =	sst s0;
	s0 =	simm.s32 @!p1 $0x0  }
0x14: {  	s2 =	sld [smem:$0x3F90];
	s0 =	simm.s32 @p1 $0x1  }
0x15: {  	[smem:$0x3FAD] =	sst s0;
	s0 =	simm.s32 @!p2 $0x0  }
0x16: {  	s3 =	sld [smem:$0x3FDB];
	s0 =	simm.s32 @p2 $0x1  }
0x17: {  	s4 =	simm.s32 $0x1BF5;
	[smem:$0x3FAF] =	sst s0  }
0x18: {  	s0 =	sld [smem:$0x3F92];
	_ =	swait.ge [sflag:s4], $0x0  }
0x19: {  	s7 =	sld [smem:$0x3F93]  }
0x1a: {  	s8 =	sadd.s32 $0xFFFFE003, lr  }
0x1b: {  	s9 =	sadd.s32 $0xFFFFFEF7, lr;
	s5 =	simm.s32 $0xFFFFFFFF;
	p2 =	slt.u32 s8, $0xFFFFF086  }
0x1c: {  	p1 =	slt.u32 s9, $0xF7A;
	s5 =	simm.s32 @!p2 $0x0  }
0x1d: {  	s5 =	simm.s32 @p1 $0x1;
	p0 =	seq.s32 s7, s2  }
0x1e: {  	s7 =	smul.u32 @!p0 $0xF7A, s2;
	p2 =	seq.s32 @!p0 s5, $0x0  }
0x1f: {  	s9 =	smul.u32 $0xF7A, s1;
	s8 =	simm.s32 @!p0 $0x1BF5;
	p2 =	por !p2, p0  }
0x20: {  	[sflag:s8] =	ssyncset.s32 @!p0 $0xFFFFF086;
	s6 =	sadd.s32 @!p0 s3, s7;
	s7 =	simm.s32 @!p0 $0x108  }
0x21: {  	s3 =	sadd.s32 s3, s9;
	s6 =	sadd.s32 @!p0 $0x88, s6;
	s7 =	simm.s32 @p2 $0x1082  }
0x22: {  	[simem:s7], [sflag:s8] =	dma.local @!p0 [hbm:s6], $0xF7A  }
0x23: {  	s9 =	sor.u32 $0xD0000000, s2;
	s6 =	simm.s32 $0x108;
	_ =	swait.ge @!p0 [sflag:s8], $0x0  }
0x24: {  	s3 =	sadd.s32 $0x88, s3;
	s6 =	simm.s32 @!p1 $0x1082;
	[sflag:s4] =	ssyncset.s32 $0xFFFFF086  }
0x25: {  	[simem:s6], [sflag:s4] =	dma.local [hbm:s3], $0xF7A  }
0x26: {  	[smem:$0x3F93] =	sst s1;
	(tag) =	ssettag s2;
	_ =	strace s9  }
0x27: {  	s1 =	sld [smem:$0x3FA3]  }
0x28: {  	s2 =	sld [smem:$0x3FA4]  }
0x29: {  	s4 =	sld [smem:$0x3FA6]  }
0x2a: {  	p0 =	seq.s32 s5, $0x0;
	s5 =	sld [smem:$0x3FA7]  }
0x2b: {  	s6 =	sld [smem:$0x3FA8]  }
0x2c: {  	s7 =	sld [smem:$0x3FA9]  }
0x2d: {  	s3 =	simm.s32 $0x108;
	s8 =	sld [smem:$0x3FAA]  }
0x2e: {  	s3 =	simm.s32 @!p0 $0x1082;
	s9 =	sld [smem:$0x3FAB]  }
0x2f: {  	lr =	sadd.s32 s0, s3;
	s0 =	sld [smem:$0x3FA2]  }
0x30: {  	s3 =	sld [smem:$0x3FA5]  }
0x31: {  	[smem:$0x3FAE] =	sst s10  }
0x32: {  	s10 =	sld [smem:$0x3FAC];
	_ =	sdelay $0x3  }
0x33: {  	p0 =	seq.s32 s10, $0x1;
	s10 =	sld [smem:$0x3FAE];
	_ =	sdelay $0x3  }
0x34: {  	[smem:$0x3FAE] =	sst s10  }
0x35: {  	s10 =	sld [smem:$0x3FAD];
	_ =	sdelay $0x3  }
0x36: {  	p1 =	seq.s32 s10, $0x1;
	s10 =	sld [smem:$0x3FAE];
	_ =	sdelay $0x3  }
0x37: {  	[smem:$0x3FAE] =	sst s10  }
0x38: {  	s10 =	sld [smem:$0x3FAF]  }
0x39: {  	_ = 	snop;
	(pc) =	sbr.ind lr, $3  }
0x3a: {  	_ = 	snop  }
0x3b: {  	_ = 	snop  }
0x3c: {  	p2 =	seq.s32 s10, $0x1;
	s10 =	sld [smem:$0x3FAE]  }
0x3d: {  	_ =	shalt  }
0x3e: {  	_ =	shalt  }
0x3f: {  	_ =	shalt  }
0x40: {  	_ =	shalt  }
0x41: {  	_ =	shalt  }
0x42: {  	_ =	shalt  }
0x43: {  	_ =	shalt  }
0x44: {  	_ =	shalt  }
0x45: {  	_ =	shalt  }
0x46: {  	_ =	shalt  }
0x47: {  	_ =	shalt  }
0x48: {  	_ =	shalt  }
0x49: {  	_ =	shalt  }
0x4a: {  	_ =	shalt  }
0x4b: {  	_ =	shalt  }
0x4c: {  	_ =	shalt  }
0x4d: {  	_ =	shalt  }
0x4e: {  	_ =	shalt  }
0x4f: {  	_ =	shalt  }
0x50: {  	_ =	shalt  }
0x51: {  	_ =	shalt  }
0x52: {  	_ =	shalt  }
0x53: {  	_ =	shalt  }
0x54: {  	_ =	shalt  }
0x55: {  	_ =	shalt  }
0x56: {  	_ =	shalt  }
0x57: {  	_ =	shalt  }
0x58: {  	_ =	shalt  }
0x59: {  	_ =	shalt  }
0x5a: {  	_ =	shalt  }
0x5b: {  	_ =	shalt  }
0x5c: {  	_ =	shalt  }
0x5d: {  	_ =	shalt  }
0x5e: {  	_ =	shalt  }
0x5f: {  	_ =	shalt  }
0x60: {  	_ =	shalt  }
0x61: {  	_ =	shalt  }
0x62: {  	_ =	shalt  }
0x63: {  	_ =	shalt  }
0x64: {  	_ =	shalt  }
0x65: {  	_ =	shalt  }
0x66: {  	_ =	shalt  }
0x67: {  	_ =	shalt  }
0x68: {  	_ =	shalt  }
0x69: {  	_ =	shalt  }
0x6a: {  	_ =	shalt  }
0x6b: {  	_ =	shalt  }
0x6c: {  	_ =	shalt  }
0x6d: {  	_ =	shalt  }
0x6e: {  	_ =	shalt  }
0x6f: {  	_ =	shalt  }
0x70: {  	_ =	shalt  }
0x71: {  	_ =	shalt  }
0x72: {  	_ =	shalt  }
0x73: {  	_ =	shalt  }
0x74: {  	_ =	shalt  }
0x75: {  	_ =	shalt  }
0x76: {  	_ =	shalt  }
0x77: {  	_ =	shalt  }
0x78: {  	_ =	shalt  }
0x79: {  	_ =	shalt  }
0x7a: {  	_ =	shalt  }
0x7b: {  	_ =	shalt  }
0x7c: {  	_ =	shalt  }
0x7d: {  	_ =	shalt  }
0x7e: {  	_ =	shalt  }
0x7f: {  	_ =	shalt  }
0x80: {  	_ =	shalt  }
0x81: {  	_ =	shalt  }
0x82: {  	_ =	shalt  }
0x83: {  	_ =	shalt  }
0x84: {  	_ =	shalt  }
0x85: {  	_ =	shalt  }
0x86: {  	_ =	shalt  }
0x87: {  	_ =	shalt  }
.Lfunc_end0:
.L_simem_size_0:
called_computation.1_lowered:
.L_overlay_start_0:
0x88: {  	s2 =	sld [smem:$0x3FD9]  }
0x89: {  	s3 =	sld [smem:$0x3FFE];
	_ =	sdelay $0x1  }
0x8a: {  	s1 =	srdreg.scid  }
0x8b: {  	s0 =	sand.u32 $0x1, s1  }
0x8c: {  	s16 =	sshll.u32 s0, $0xA;
	s2 =	sadd.s32 s3, s2  }
0x8d: {  	s2 =	sadd.s32 s2, s16  }
0x8e: {  	[smem:$0x3FBA] =	sst s2  }
0x8f: {  	_ = 	snop  }
0x90: {  	(tm) =	ssettm $0x1  }
0x91: {  	s17 =	sld [smem:$0x3FFB];
	_ =	sdelay $0x3  }
0x92: {  	_ =	strace s17  }
0x93: {  	s2 =	sld [smem:$0x3FFC];
	_ =	sdelay $0x3  }
0x94: {  	_ =	strace s2  }
0x95: {  	s2 =	sld [smem:$0x3FFD];
	_ =	sdelay $0x3  }
0x96: {  	_ =	strace s2  }
0x97: {  	_ =	strace $0x8FFFFFFF  }
0x98: {  	s18 =	sld [smem:$0x3FDB];
	_ =	sdelay $0x1  }
0x99: {  	s19 =	simm.s32 $_scs_section_size  }
0x9a: {  	s4 =	simm.s32 $_size__tile_overlayer_lowered;
	s5 =	simm.s32 $_tile_overlayer_lowered  }
0x9b: {  	s22 =	simm.s32 $0x1BFF;
	s21 =	sshll.u32 s5, $0x1;
	s2 =	sadd.s32 s19, s18  }
0x9c: {  	s6 =	simm.s32 $0x0;
	s20 =	sshll.u32 s4, $0x1;
	s4 =	sadd.s32 s21, s2  }
0x9d: {  	[timem:s6], [sflag:s22] =	dma.local [hbm:s4], s20  }
0x9e: {  	_ =	swait.ge [sflag:s22], s20  }
0x9f: {  	s3 =	ssub.s32 $0x0, s20;
	[sflag:s22] =	ssyncset.done $0x0  }
0xa0: {  	[sflag:s22] =	ssyncadd.s32 s3;
	_ =	sdelay $0x1  }
0xa1: {  	s23 =	simm.s32 $0x1B8B  }
0xa2: {  	_ =	swait.ge [sflag:s23], $0x1  }
0xa3: {  	[sflag:s23] =	ssyncset.done $0x0  }
0xa4: {  	s25 =	simm.s32 $0x1B8E;
	s24 =	sld [smem:$0x3FFE];
	[sflag:s23] =	ssyncadd.s32 $0xFFFFFFFF  }
0xa5: {  	s26 =	simm.s32 $execute0_lowered;
	[smem:$0x3FD2] =	sst s25  }
0xa6: {  	s4 =	sshll.u32 s26, $0x1;
	_ =	strace $0x80000049;
	[dreg:$0x1] =	wrdreg $0xFFFFFFFF  }
0xa7: {  	s28 =	simm.s32 $_size_execute0_lowered;
	s2 =	sadd.s32 s2, s4;
	[dreg:$0x0] =	wrdreg $0x0  }
0xa8: {  	s4 =	sshll.u32 s28, $0x1;
	[dreg:$0x2] =	wrdreg s2  }
0xa9: {  	[dreg:$0x3] =	wrdreg s4  }
0xaa: {  	[dreg:$0x4] =	wrdreg $0xC0  }
0xab: {  	_ =	task [dreg:s6], $0x5FFFF  }
0xac: {  	[dreg:$0x1] =	wrdreg $0xFFFFFFFF  }
0xad: {  	[dreg:$0x0] =	wrdreg $0x60  }
0xae: {  	[dreg:$0x2] =	wrdreg s24  }
0xaf: {  	[dreg:$0x3] =	wrdreg $0x82000  }
0xb0: {  	[dreg:$0x4] =	wrdreg $0x9  }
0xb1: {  	_ =	task.clear_ibuf [dreg:s6], $0x5FFFF;
	_ =	strace $0x90000049  }
0xb2: {  	s29 =	simm.s32 $0x9;
	_ =	strace $0x8000004B  }
0xb3: {  	_ =	swait.ge [sflag:s29], $0x1  }
0xb4: {  	[sflag:s29] =	ssyncadd.s32 $0xFFFFFFFF  }
0xb5: {  	_ =	strace $0x9000004B  }
0xb6: {  	_ =	sfence  }
0xb7: {  	s30 =	sld [smem:$0x0];
	_ =	sdelay $0x2  }
0xb8: {  	s31 =	sshll.u32 s1, $0xD;
	s1 =	sshrl.u32 s1, $0x2  }
0xb9: {  	s3 =	sand.u32 $0x4000, s31;
	s1 =	sadd.s32 s1, s30  }
0xba: {  	s0 =	sor.u32 s3, s0;
	s1 =	sshll.u32 s1, $0x11  }
0xbb: {  	s0 =	sor.u32 s1, s0  }
0xbc: {  	s0 =	sadd.s32 $0x8F2B, s0  }
0xbd: {  	[sflag:s0] =	ssyncadd.remote.s32 $0x1  }
0xbe: {  	_ =	sfence.sel $0xFFFF  }
0xbf: {  	[dreg:$0x0] =	wrdreg $0xFFFFFFFF;
	(pc) =	sbr.abs _section_cstart, $3  }
0xc0: {  	[dreg:$0x1] =	wrdreg $0xFFFFFFFF  }
0xc1: {  	_ =	task.clear_ibuf [dreg:s6], $0x2FFFF;
	_ =	strace $0x9FFFFFFF  }
0xc2: {  	(tm) =	ssettm $0x7FFFFFFF  }
0xc3: {  	_ =	shalt  }
tec
execute0_lowered:
.L_overlay_start_1:
0x0: {  	(tag) =	ssettag $0x1  }
0x1: {  	s0 =	rddreg [dreg:$0x0]  }
0x2: {  	s1 =	rddreg [dreg:$0x1];
	s2 =	simm.s32 $0x0;
	s23 =	srdreg.scid  }
0x3: {  	s4 =	stileid.u32;
	s18 =	simm.s32 $0x6;
	s19 =	simm.s32 $0x100  }
0x4: {  	s20 =	simm.s32 $0x1;
	s21 =	simm.s32 $0x80;
	s22 =	simm.s32 $0x200  }
0x5: {  	s28 =	simm.s32 $0x5;
	s29 =	simm.s32 $0x4;
	[smem:$0x7FF] =	sst s2  }
0x6: {  	s3 =	sadd.s32 $0x289200, s0;
	s14 =	sadd.s32 $0x1E00, s0;
	s9 =	smul.u32 $0x4E200, s4  }
0x7: {  	s5 =	sand.u32 $0x1, s23;
	s24 =	sadd.s32 $0xBC00, s0;
	s11 =	smul.u32 $0x4F00, s4  }
0x8: {  	s6 =	sadd.s32 $0x15A00, s0;
	s7 =	sadd.s32 $0x76B200, s0;
	s16 =	smul.u32 $0x9E0, s4  }
0x9: {  	s30 =	sshll.u32 s4, $0x6;
	s13 =	smul.u32 $0x2780, s4;
	s23 =	simm.s32 $0x180  }
0xa: {  	_ =	strace $0x8000004A;
	[dreg:$0x3] =	wrdreg s3;
	s8 =	ssub.s32 $0x2, s5  }
0xb: {  	[dreg:$0x4] =	wrdreg s5;
	s3 =	simm.s32 $0x0;
	s10 =	sshrl.u32 s8, $0x1  }
0xc: {  	s26 =	sshrl.u32 s9, $0x2;
	s31 =	sshrl.u32 s11, $0x3;
	s15 =	sadd.s32 s16, s24  }
0xd: {  	s16 =	sadd.s32 s16, s14;
	s25 =	ssub.s32 s8, s10;
	s17 =	sadd.s32 s26, s1  }
0xe: {  	s8 =	sor.u32 $0x1C06, s30;
	s9 =	sadd.s32 s14, s31;
	s12 =	sor.u32 $0x10, s31  }
0xf: {  	s10 =	sadd.s32 s24, s31;
	s26 =	simm.s32 $0x4200;
	s11 =	sadd.s32 s14, s12  }
0x10: {  	s12 =	sadd.s32 s24, s12;
	s0 =	smax.u32 s25, $0x1;
	s17 =	sshrl.u32 s17, $0x3  }
0x11: {  	s24 =	simm.s32 $0x3;
	s25 =	simm.s32 $0x2;
	[dreg:$0x5] =	wrdreg s0  }
.LBB2_1:
0x12: {  	[dreg:$0x6] =	wrdreg s3;
	s31 =	simm.s32 $0x0  }
.LBB2_2:
0x13: {  	[spmem:s17], [sflag:s8] =	dma.local [hbm:s6], $0x2710  }
0x14: {  	_ =	swait.ge [sflag:s18], $0x2710  }
0x15: {  	[sflag:s18] =	ssyncset.done $0x0  }
0x16: {  	[sflag:s18] =	ssyncadd.s32 $0xFFFFD8F0  }
0x17: {  	[bflag:$0x0] =	sbarrier.arrive $0xFFFF  }
0x18: {  	[tilespmem:s2], [sflag:$0x1] =	stream.linear.gather [hbm4b:s9+s2], $0x80, $0x38;
	[tilespmem:$0x1BB00] =	vst v63  }
0x19: {  	_ = 	snop  }
0x1a: {  	[tilespmem:s19], [sflag:$0x1] =	stream.linear.gather [hbm4b:s10+s2], $0x80, $0x38;
	[tilespmem:$0x1BB00] =	vst v63  }
0x1b: {  	_ =	swait.ge [sflag:s20], $0x80  }
0x1c: {  	s0 =	sshll.u32 s31, $0x1;
	[sflag:s20] =	ssyncset.done $0x0;
	s3 =	rddreg [dreg:$0x4]  }
0x1d: {  	s0 =	sor.u32 s3, s0;
	[sflag:s20] =	ssyncadd.s32 $0xFFFFFF80  }
0x1e: {  	_ =	swait.ge [sflag:s20], $0x80;
	s3 =	smul.u32 $0x27100, s0  }
0x1f: {  	[sflag:s20] =	ssyncset.done $0x0;
	s4 =	rddreg [dreg:$0x3]  }
0x20: {  	[sflag:s20] =	ssyncadd.s32 $0xFFFFFF80;
	s3 =	sadd.s32 s4, s3  }
0x21: {  	[tilespmem:s22], [sflag:$0x3] =	stream.indirect.gather [hbm4b:s3+s21], $0x80, s2, s21, $0xb8;
	[tilespmem:$0x1BB00] =	vst v63  }
0x22: {  	_ = 	snop  }
0x23: {  	[tilespmem:s21], [sflag:$0x2] =	stream.linear.gather [hbm4b:s11+s2], $0x80, $0x38;
	[tilespmem:$0x1BB00] =	vst v63  }
0x24: {  	_ = 	snop  }
0x25: {  	[tilespmem:s23], [sflag:$0x2] =	stream.linear.gather [hbm4b:s12+s2], $0x80, $0x38;
	[tilespmem:$0x1BB00] =	vst v63  }
0x26: {  	_ =	swait.ge [sflag:s24], $0x4000  }
0x27: {  	[sflag:s24] =	ssyncset.done $0x0  }
0x28: {  	[sflag:s24] =	ssyncadd.s32 $0xFFFFC000  }
0x29: {  	[spmem:s1] =	stream.indirect.scatter.add.f32 [tilespmem:s22], [sflag:$0x5], $0x80, s19, s21, $0xb8;
	[tilespmem:$0x1BB00] =	vst v63  }
0x2a: {  	_ =	swait.ge [sflag:s25], $0x80  }
0x2b: {  	[sflag:s25] =	ssyncset.done $0x0  }
0x2c: {  	[sflag:s25] =	ssyncadd.s32 $0xFFFFFF80  }
0x2d: {  	_ =	swait.ge [sflag:s25], $0x80  }
0x2e: {  	[sflag:s25] =	ssyncset.done $0x0  }
0x2f: {  	[sflag:s25] =	ssyncadd.s32 $0xFFFFFF80  }
0x30: {  	[tilespmem:s26], [sflag:$0x4] =	stream.indirect.gather [hbm4b:s3+s21], $0x80, s21, s21, $0xb8;
	[tilespmem:$0x1BB00] =	vst v63  }
0x31: {  	_ =	swait.ge [sflag:s28], $0x4000  }
0x32: {  	s14 =	sadd.s32 $0xFFFFF640, s16;
	[sflag:s28] =	ssyncset.done $0x0  }
0x33: {  	s5 =	sadd.s32 $0xFFFFF640, s15;
	s30 =	sadd.s32 $0x9E0, s14;
	[sflag:s28] =	ssyncadd.s32 $0xFFFFC000  }
0x34: {  	[tilespmem:s2], [sflag:$0x1] =	stream.linear.gather [hbm4b:s30+s2], $0x80, $0x38;
	[tilespmem:$0x1BB00] =	vst v63  }
0x35: {  	s30 =	sadd.s32 $0x9E0, s5  }
0x36: {  	[tilespmem:s19], [sflag:$0x1] =	stream.linear.gather [hbm4b:s30+s2], $0x80, $0x38;
	[tilespmem:$0x1BB00] =	vst v63  }
0x37: {  	_ =	swait.ge [sflag:s29], $0x4000  }
0x38: {  	[sflag:s29] =	ssyncset.done $0x0  }
0x39: {  	[sflag:s29] =	ssyncadd.s32 $0xFFFFC000  }
0x3a: {  	[spmem:s1] =	stream.indirect.scatter.add.f32 [tilespmem:s26], [sflag:$0x5], $0x80, s23, s21, $0xb8;
	[tilespmem:$0x1BB00] =	vst v63  }
0x3b: {  	_ =	swait.ge [sflag:s20], $0x80  }
0x3c: {  	[sflag:s20] =	ssyncset.done $0x0  }
0x3d: {  	[sflag:s20] =	ssyncadd.s32 $0xFFFFFF80  }
0x3e: {  	_ =	swait.ge [sflag:s20], $0x80  }
0x3f: {  	[sflag:s20] =	ssyncset.done $0x0  }
0x40: {  	[sflag:s20] =	ssyncadd.s32 $0xFFFFFF80  }
0x41: {  	[tilespmem:s22], [sflag:$0x3] =	stream.indirect.gather [hbm4b:s3+s21], $0x80, s2, s21, $0xb8;
	[tilespmem:$0x1BB00] =	vst v63  }
0x42: {  	_ =	swait.ge [sflag:s28], $0x4000  }
0x43: {  	[sflag:s28] =	ssyncset.done $0x0  }
0x44: {  	s14 =	sadd.s32 $0x9F0, s14;
	[sflag:s28] =	ssyncadd.s32 $0xFFFFC000  }
0x45: {  	[tilespmem:s21], [sflag:$0x2] =	stream.linear.gather [hbm4b:s14+s2], $0x80, $0x38;
	[tilespmem:$0x1BB00] =	vst v63  }
0x46: {  	s30 =	sadd.s32 $0x9F0, s5;
	s14 =	simm.s32 $0xFFFFF660  }
.LBB2_3:
0x47: {  	[tilespmem:s23], [sflag:$0x2] =	stream.linear.gather [hbm4b:s30+s2], $0x80, $0x38;
	[tilespmem:$0x1BB00] =	vst v63  }
0x48: {  	s4 =	smov.u32 s14  }
0x49: {  	p0 =	sne.s32 s14, $0xFFFFFFE0;
	s14 =	sadd.s32 $0x20, s14;
	_ =	swait.ge [sflag:s24], $0x4000  }
0x4a: {  	[sflag:s24] =	ssyncset.done $0x0  }
0x4b: {  	[sflag:s24] =	ssyncadd.s32 $0xFFFFC000  }
0x4c: {  	[spmem:s1] =	stream.indirect.scatter.add.f32 [tilespmem:s22], [sflag:$0x5], $0x80, s19, s21, $0xb8;
	[tilespmem:$0x1BB00] =	vst v63  }
0x4d: {  	_ =	swait.ge [sflag:s25], $0x80  }
0x4e: {  	[sflag:s25] =	ssyncset.done $0x0  }
0x4f: {  	[sflag:s25] =	ssyncadd.s32 $0xFFFFFF80  }
0x50: {  	_ =	swait.ge [sflag:s25], $0x80  }
0x51: {  	[sflag:s25] =	ssyncset.done $0x0  }
0x52: {  	[sflag:s25] =	ssyncadd.s32 $0xFFFFFF80  }
0x53: {  	[tilespmem:s26], [sflag:$0x4] =	stream.indirect.gather [hbm4b:s3+s21], $0x80, s21, s21, $0xb8;
	[tilespmem:$0x1BB00] =	vst v63  }
0x54: {  	_ =	swait.ge [sflag:s28], $0x4000  }
0x55: {  	s30 =	sadd.s32 s4, s16;
	[sflag:s28] =	ssyncset.done $0x0  }
0x56: {  	s4 =	sadd.s32 s4, s15;
	s5 =	sadd.s32 $0x9E0, s30;
	[sflag:s28] =	ssyncadd.s32 $0xFFFFC000  }
0x57: {  	[tilespmem:s2], [sflag:$0x1] =	stream.linear.gather [hbm4b:s5+s2], $0x80, $0x38;
	[tilespmem:$0x1BB00] =	vst v63  }
0x58: {  	s5 =	sadd.s32 $0x9E0, s4  }
0x59: {  	[tilespmem:s19], [sflag:$0x1] =	stream.linear.gather [hbm4b:s5+s2], $0x80, $0x38;
	[tilespmem:$0x1BB00] =	vst v63  }
0x5a: {  	_ =	swait.ge [sflag:s29], $0x4000  }
0x5b: {  	[sflag:s29] =	ssyncset.done $0x0  }
0x5c: {  	[sflag:s29] =	ssyncadd.s32 $0xFFFFC000  }
0x5d: {  	[spmem:s1] =	stream.indirect.scatter.add.f32 [tilespmem:s26], [sflag:$0x5], $0x80, s23, s21, $0xb8;
	[tilespmem:$0x1BB00] =	vst v63  }
0x5e: {  	_ =	swait.ge [sflag:s20], $0x80  }
0x5f: {  	[sflag:s20] =	ssyncset.done $0x0  }
0x60: {  	[sflag:s20] =	ssyncadd.s32 $0xFFFFFF80  }
0x61: {  	_ =	swait.ge [sflag:s20], $0x80  }
0x62: {  	[sflag:s20] =	ssyncset.done $0x0  }
0x63: {  	[sflag:s20] =	ssyncadd.s32 $0xFFFFFF80  }
0x64: {  	[tilespmem:s22], [sflag:$0x3] =	stream.indirect.gather [hbm4b:s3+s21], $0x80, s2, s21, $0xb8;
	[tilespmem:$0x1BB00] =	vst v63  }
.Ltmp0:
0x65: {  	_ =	swait.ge [sflag:s28], $0x4000;
	(pc) =	sbr.rel @p0 .LBB2_3-.Ltmp0, $4  }
0x66: {  	[sflag:s28] =	ssyncset.done $0x0  }
0x67: {  	s5 =	sadd.s32 $0x9F0, s30;
	[sflag:s28] =	ssyncadd.s32 $0xFFFFC000  }
0x68: {  	[tilespmem:s21], [sflag:$0x2] =	stream.linear.gather [hbm4b:s5+s2], $0x80, $0x38;
	[tilespmem:$0x1BB00] =	vst v63  }
0x69: {  	s30 =	sadd.s32 $0x9F0, s4  }
0x6a: {  	[tilespmem:s23], [sflag:$0x2] =	stream.linear.gather [hbm4b:s30+s2], $0x80, $0x38;
	[tilespmem:$0x1BB00] =	vst v63  }
0x6b: {  	_ =	swait.ge [sflag:s24], $0x4000  }
0x6c: {  	[sflag:s24] =	ssyncset.done $0x0  }
0x6d: {  	[sflag:s24] =	ssyncadd.s32 $0xFFFFC000  }
0x6e: {  	[spmem:s1] =	stream.indirect.scatter.add.f32 [tilespmem:s22], [sflag:$0x5], $0x80, s19, s21, $0xb8;
	[tilespmem:$0x1BB00] =	vst v63  }
0x6f: {  	_ =	swait.ge [sflag:s25], $0x80  }
0x70: {  	[sflag:s25] =	ssyncset.done $0x0  }
0x71: {  	[sflag:s25] =	ssyncadd.s32 $0xFFFFFF80  }
0x72: {  	_ =	swait.ge [sflag:s25], $0x80  }
0x73: {  	[sflag:s25] =	ssyncset.done $0x0  }
0x74: {  	[sflag:s25] =	ssyncadd.s32 $0xFFFFFF80  }
0x75: {  	[tilespmem:s26], [sflag:$0x4] =	stream.indirect.gather [hbm4b:s3+s21], $0x80, s21, s21, $0xb8;
	[tilespmem:$0x1BB00] =	vst v63  }
0x76: {  	_ =	swait.ge [sflag:s28], $0x4000  }
0x77: {  	[sflag:s28] =	ssyncset.done $0x0  }
0x78: {  	[sflag:s28] =	ssyncadd.s32 $0xFFFFC000  }
0x79: {  	_ =	swait.ge [sflag:s29], $0x4000  }
0x7a: {  	[sflag:s29] =	ssyncset.done $0x0  }
0x7b: {  	[sflag:s29] =	ssyncadd.s32 $0xFFFFC000  }
0x7c: {  	[spmem:s1] =	stream.indirect.scatter.add.f32 [tilespmem:s26], [sflag:$0x5], $0x80, s23, s21, $0xb8;
	[tilespmem:$0x1BB00] =	vst v63  }
0x7d: {  	s0 =	smul.u32 $0x27800, s0;
	_ =	swait.ge [sflag:s28], $0x4000  }
0x7e: {  	s31 =	sadd.s32 $0x1, s31;
	[sflag:s28] =	ssyncset.done $0x0  }
0x7f: {  	p0 =	sne.s32 s31, $0x10;
	s0 =	sadd.s32 s7, s0;
	[sflag:s28] =	ssyncadd.s32 $0xFFFFC000  }
.Ltmp1:
0x80: {  	s0 =	sadd.s32 s13, s0;
	[bflag:$0x0] =	sbarrier.arrive $0xFFFF;
	(pc) =	sbr.rel @p0 .LBB2_2-.Ltmp1, $4  }
0x81: {  	[hbm:s0], [sflag:s8] =	dma.local [spmem:s17], $0x2710  }
0x82: {  	_ =	swait.ge [sflag:s18], $0x2710  }
0x83: {  	[sflag:s18] =	ssyncset.done $0x0  }
0x84: {  	[sflag:s18] =	ssyncadd.s32 $0xFFFFD8F0  }
0x85: {  	s3 =	rddreg [dreg:$0x6]  }
0x86: {  	s0 =	rddreg [dreg:$0x5];
	s3 =	sadd.s32 $0x1, s3  }
0x87: {  	p0 =	sne.s32 s3, s0  }
.Ltmp2:
0x88: {  	_ = 	snop;
	(pc) =	sbr.rel @p0 .LBB2_1-.Ltmp2, $1  }
0x89: {  	_ =	sdelay $0x3  }
0x8a: {  	_ =	sfence.sel $0x180000  }
0x8b: {  	[bflag:$0x0] =	sbarrier.arrive $0xFFFF  }
0x8c: {  	_ =	strace $0x9000004A  }
0x8d: {  	s0 =	stileid.u32;
	[bflag:$0x2] =	sbarrier.arrive $0xFFFF  }
0x8e: {  	p0 =	sne.s32 s0, $0x0;
	s0 =	rddreg [dreg:$0x2]  }
0x8f: {  	s0 =	sadd.s32 @!p0 $0x100000, s0  }
0x90: {  	[sflag:s0] =	ssyncadd.tile.s32 @!p0 $0x1;
	_ =	shalt  }
.Lfunc_end2:
_tile_overlayer_lowered:
.L_overlay_start_2:
0x91: {  	(tag) =	ssettag $0x2  }
0x92: {  	s0 =	rddreg [dreg:$0x0];
	s2 =	stileid.u32  }
0x93: {  	s1 =	rddreg [dreg:$0x1];
	p0 =	sne.s32 s2, $0x0  }
0x94: {  	s3 =	rddreg [dreg:$0x2];
	[bflag:$0x3] =	sbarrier.arrive $0xFFFF;
	s2 =	simm.s32 @!p0 $0x1C06  }
0x95: {  	[timem:s3], [sflag:s2] =	dma.local @!p0 [hbm:s0], s1  }
0x96: {  	s0 =	simm.s32 @!p0 $0x6  }
0x97: {  	_ =	swait.ge @!p0 [sflag:s0], s1  }
0x98: {  	s1 =	ssub.s32 @!p0 $0x0, s1;
	[sflag:s0] =	ssyncset.done @!p0 $0x0  }
0x99: {  	[sflag:s0] =	ssyncadd.s32 @!p0 s1  }
0x9a: {  	[bflag:$0x3] =	sbarrier.arrive $0xFFFF  }
0x9b: {  	_ =	shalt  }

// kernel: kernel.7.cloned.1.call-start
scs
__scs_entry_jumppad:
0x0: {  	(pc) =	sbr.rel $0x88, $3  }
0x1: {  	(tag) =	ssettag $0x0;
	lr =	simm.s32 $0x1  }
0x2: {  	[smem:$0x3F93] =	sst lr;
	_ =	strace $0xD0000000  }
0x3: {  	_ = 	snop  }
0x4: {  	_ = 	snop  }
0x5: {  	_ = 	snop  }
0x6: {  	_ = 	snop  }
0x7: {  	_ = 	snop  }
__scs_overlays_trampoline_lowered:
0x8: {  	[smem:$0x3FA2] =	sst s0  }
0x9: {  	[smem:$0x3FA3] =	sst s1  }
0xa: {  	[smem:$0x3FA4] =	sst s2  }
0xb: {  	[smem:$0x3FA5] =	sst s3  }
0xc: {  	[smem:$0x3FA6] =	sst s4  }
0xd: {  	[smem:$0x3FA7] =	sst s5  }
0xe: {  	[smem:$0x3FA8] =	sst s6  }
0xf: {  	[smem:$0x3FA9] =	sst s7  }
0x10: {  	[smem:$0x3FAA] =	sst s8  }
0x11: {  	[smem:$0x3FAB] =	sst s9;
	s0 =	simm.s32 @!p0 $0x0  }
0x12: {  	s1 =	sld [smem:$0x3F91];
	s0 =	simm.s32 @p0 $0x1  }
0x13: {  	[smem:$0x3FAC] =	sst s0;
	s0 =	simm.s32 @!p1 $0x0  }
0x14: {  	s2 =	sld [smem:$0x3F90];
	s0 =	simm.s32 @p1 $0x1  }
0x15: {  	[smem:$0x3FAD] =	sst s0;
	s0 =	simm.s32 @!p2 $0x0  }
0x16: {  	s3 =	sld [smem:$0x3FDB];
	s0 =	simm.s32 @p2 $0x1  }
0x17: {  	s4 =	simm.s32 $0x1BF5;
	[smem:$0x3FAF] =	sst s0  }
0x18: {  	s0 =	sld [smem:$0x3F92];
	_ =	swait.ge [sflag:s4], $0x0  }
0x19: {  	s7 =	sld [smem:$0x3F93]  }
0x1a: {  	s8 =	sadd.s32 $0xFFFFE003, lr  }
0x1b: {  	s9 =	sadd.s32 $0xFFFFFEF7, lr;
	s5 =	simm.s32 $0xFFFFFFFF;
	p2 =	slt.u32 s8, $0xFFFFF086  }
0x1c: {  	p1 =	slt.u32 s9, $0xF7A;
	s5 =	simm.s32 @!p2 $0x0  }
0x1d: {  	s5 =	simm.s32 @p1 $0x1;
	p0 =	seq.s32 s7, s2  }
0x1e: {  	s7 =	smul.u32 @!p0 $0xF7A, s2;
	p2 =	seq.s32 @!p0 s5, $0x0  }
0x1f: {  	s9 =	smul.u32 $0xF7A, s1;
	s8 =	simm.s32 @!p0 $0x1BF5;
	p2 =	por !p2, p0  }
0x20: {  	[sflag:s8] =	ssyncset.s32 @!p0 $0xFFFFF086;
	s6 =	sadd.s32 @!p0 s3, s7;
	s7 =	simm.s32 @!p0 $0x108  }
0x21: {  	s3 =	sadd.s32 s3, s9;
	s6 =	sadd.s32 @!p0 $0x88, s6;
	s7 =	simm.s32 @p2 $0x1082  }
0x22: {  	[simem:s7], [sflag:s8] =	dma.local @!p0 [hbm:s6], $0xF7A  }
0x23: {  	s9 =	sor.u32 $0xD0000000, s2;
	s6 =	simm.s32 $0x108;
	_ =	swait.ge @!p0 [sflag:s8], $0x0  }
0x24: {  	s3 =	sadd.s32 $0x88, s3;
	s6 =	simm.s32 @!p1 $0x1082;
	[sflag:s4] =	ssyncset.s32 $0xFFFFF086  }
0x25: {  	[simem:s6], [sflag:s4] =	dma.local [hbm:s3], $0xF7A  }
0x26: {  	[smem:$0x3F93] =	sst s1;
	(tag) =	ssettag s2;
	_ =	strace s9  }
0x27: {  	s1 =	sld [smem:$0x3FA3]  }
0x28: {  	s2 =	sld [smem:$0x3FA4]  }
0x29: {  	s4 =	sld [smem:$0x3FA6]  }
0x2a: {  	p0 =	seq.s32 s5, $0x0;
	s5 =	sld [smem:$0x3FA7]  }
0x2b: {  	s6 =	sld [smem:$0x3FA8]  }
0x2c: {  	s7 =	sld [smem:$0x3FA9]  }
0x2d: {  	s3 =	simm.s32 $0x108;
	s8 =	sld [smem:$0x3FAA]  }
0x2e: {  	s3 =	simm.s32 @!p0 $0x1082;
	s9 =	sld [smem:$0x3FAB]  }
0x2f: {  	lr =	sadd.s32 s0, s3;
	s0 =	sld [smem:$0x3FA2]  }
0x30: {  	s3 =	sld [smem:$0x3FA5]  }
0x31: {  	[smem:$0x3FAE] =	sst s10  }
0x32: {  	s10 =	sld [smem:$0x3FAC];
	_ =	sdelay $0x3  }
0x33: {  	p0 =	seq.s32 s10, $0x1;
	s10 =	sld [smem:$0x3FAE];
	_ =	sdelay $0x3  }
0x34: {  	[smem:$0x3FAE] =	sst s10  }
0x35: {  	s10 =	sld [smem:$0x3FAD];
	_ =	sdelay $0x3  }
0x36: {  	p1 =	seq.s32 s10, $0x1;
	s10 =	sld [smem:$0x3FAE];
	_ =	sdelay $0x3  }
0x37: {  	[smem:$0x3FAE] =	sst s10  }
0x38: {  	s10 =	sld [smem:$0x3FAF]  }
0x39: {  	_ = 	snop;
	(pc) =	sbr.ind lr, $3  }
0x3a: {  	_ = 	snop  }
0x3b: {  	_ = 	snop  }
0x3c: {  	p2 =	seq.s32 s10, $0x1;
	s10 =	sld [smem:$0x3FAE]  }
0x3d: {  	_ =	shalt  }
0x3e: {  	_ =	shalt  }
0x3f: {  	_ =	shalt  }
0x40: {  	_ =	shalt  }
0x41: {  	_ =	shalt  }
0x42: {  	_ =	shalt  }
0x43: {  	_ =	shalt  }
0x44: {  	_ =	shalt  }
0x45: {  	_ =	shalt  }
0x46: {  	_ =	shalt  }
0x47: {  	_ =	shalt  }
0x48: {  	_ =	shalt  }
0x49: {  	_ =	shalt  }
0x4a: {  	_ =	shalt  }
0x4b: {  	_ =	shalt  }
0x4c: {  	_ =	shalt  }
0x4d: {  	_ =	shalt  }
0x4e: {  	_ =	shalt  }
0x4f: {  	_ =	shalt  }
0x50: {  	_ =	shalt  }
0x51: {  	_ =	shalt  }
0x52: {  	_ =	shalt  }
0x53: {  	_ =	shalt  }
0x54: {  	_ =	shalt  }
0x55: {  	_ =	shalt  }
0x56: {  	_ =	shalt  }
0x57: {  	_ =	shalt  }
0x58: {  	_ =	shalt  }
0x59: {  	_ =	shalt  }
0x5a: {  	_ =	shalt  }
0x5b: {  	_ =	shalt  }
0x5c: {  	_ =	shalt  }
0x5d: {  	_ =	shalt  }
0x5e: {  	_ =	shalt  }
0x5f: {  	_ =	shalt  }
0x60: {  	_ =	shalt  }
0x61: {  	_ =	shalt  }
0x62: {  	_ =	shalt  }
0x63: {  	_ =	shalt  }
0x64: {  	_ =	shalt  }
0x65: {  	_ =	shalt  }
0x66: {  	_ =	shalt  }
0x67: {  	_ =	shalt  }
0x68: {  	_ =	shalt  }
0x69: {  	_ =	shalt  }
0x6a: {  	_ =	shalt  }
0x6b: {  	_ =	shalt  }
0x6c: {  	_ =	shalt  }
0x6d: {  	_ =	shalt  }
0x6e: {  	_ =	shalt  }
0x6f: {  	_ =	shalt  }
0x70: {  	_ =	shalt  }
0x71: {  	_ =	shalt  }
0x72: {  	_ =	shalt  }
0x73: {  	_ =	shalt  }
0x74: {  	_ =	shalt  }
0x75: {  	_ =	shalt  }
0x76: {  	_ =	shalt  }
0x77: {  	_ =	shalt  }
0x78: {  	_ =	shalt  }
0x79: {  	_ =	shalt  }
0x7a: {  	_ =	shalt  }
0x7b: {  	_ =	shalt  }
0x7c: {  	_ =	shalt  }
0x7d: {  	_ =	shalt  }
0x7e: {  	_ =	shalt  }
0x7f: {  	_ =	shalt  }
0x80: {  	_ =	shalt  }
0x81: {  	_ =	shalt  }
0x82: {  	_ =	shalt  }
0x83: {  	_ =	shalt  }
0x84: {  	_ =	shalt  }
0x85: {  	_ =	shalt  }
0x86: {  	_ =	shalt  }
0x87: {  	_ =	shalt  }
.Lfunc_end0:
.L_simem_size_0:
called_computation_lowered:
.L_overlay_start_0:
0x88: {  	s2 =	sld [smem:$0x3FD9]  }
0x89: {  	s3 =	sld [smem:$0x3FFE];
	_ =	sdelay $0x1  }
0x8a: {  	s1 =	srdreg.scid  }
0x8b: {  	s0 =	sand.u32 $0x1, s1  }
0x8c: {  	s17 =	sshll.u32 s0, $0xA;
	s2 =	sadd.s32 s3, s2  }
0x8d: {  	s2 =	sadd.s32 s2, s17  }
0x8e: {  	[smem:$0x3FBA] =	sst s2  }
0x8f: {  	_ = 	snop  }
0x90: {  	s2 =	sld [smem:$0x3FC9];
	(tm) =	ssettm $0x1  }
0x91: {  	s18 =	sld [smem:$0x3FFB];
	_ =	sdelay $0x3  }
0x92: {  	_ =	strace s18  }
0x93: {  	s3 =	sld [smem:$0x3FFC];
	_ =	sdelay $0x3  }
0x94: {  	_ =	strace s3  }
0x95: {  	s3 =	sld [smem:$0x3FFD];
	_ =	sdelay $0x3  }
0x96: {  	_ =	strace s3  }
0x97: {  	_ =	strace $0x8FFFFFFF  }
0x98: {  	s19 =	sld [smem:$0x3FDB];
	_ =	sdelay $0x1  }
0x99: {  	s4 =	simm.s32 $_scs_section_size  }
0x9a: {  	s5 =	simm.s32 $_size__tile_overlayer_lowered;
	s6 =	simm.s32 $_tile_overlayer_lowered  }
0x9b: {  	s22 =	simm.s32 $0x1BFF;
	s21 =	sshll.u32 s6, $0x1;
	s3 =	sadd.s32 s4, s19  }
0x9c: {  	s7 =	simm.s32 $0x0;
	s20 =	sshll.u32 s5, $0x1;
	s5 =	sadd.s32 s21, s3  }
0x9d: {  	[timem:s7], [sflag:s22] =	dma.local [hbm:s5], s20  }
0x9e: {  	_ =	swait.ge [sflag:s22], s20  }
0x9f: {  	s4 =	ssub.s32 $0x0, s20;
	[sflag:s22] =	ssyncset.done $0x0  }
0xa0: {  	[sflag:s22] =	ssyncadd.s32 s4;
	_ =	sdelay $0x1  }
0xa1: {  	s23 =	simm.s32 $0x1B8B  }
0xa2: {  	_ =	swait.ge [sflag:s23], $0x1  }
0xa3: {  	[sflag:s23] =	ssyncset.done $0x0  }
0xa4: {  	s25 =	simm.s32 $0x1B8E;
	s24 =	sld [smem:$0x3FFE];
	[sflag:s23] =	ssyncadd.s32 $0xFFFFFFFF  }
0xa5: {  	s26 =	simm.s32 $execute0_lowered;
	[smem:$0x3FD2] =	sst s25  }
0xa6: {  	s5 =	sshll.u32 s26, $0x1;
	_ =	strace $0x80000046;
	[dreg:$0x1] =	wrdreg $0xFFFFFFFF  }
0xa7: {  	s28 =	simm.s32 $_size_execute0_lowered;
	s3 =	sadd.s32 s3, s5;
	[dreg:$0x0] =	wrdreg $0x0  }
0xa8: {  	s5 =	sshll.u32 s28, $0x1;
	[dreg:$0x2] =	wrdreg s3  }
0xa9: {  	[dreg:$0x3] =	wrdreg s5  }
0xaa: {  	[dreg:$0x4] =	wrdreg $0xC0  }
0xab: {  	_ =	task [dreg:s7], $0x5FFFF  }
0xac: {  	[dreg:$0x1] =	wrdreg $0xFFFFFFFF  }
0xad: {  	[dreg:$0x0] =	wrdreg $0x60  }
0xae: {  	[dreg:$0x2] =	wrdreg s2  }
0xaf: {  	[dreg:$0x3] =	wrdreg s24  }
0xb0: {  	[dreg:$0x4] =	wrdreg $0x82000  }
0xb1: {  	[dreg:$0x5] =	wrdreg $0x9  }
0xb2: {  	_ =	task.clear_ibuf [dreg:s7], $0x6FFFF;
	_ =	strace $0x90000046  }
0xb3: {  	s29 =	simm.s32 $0x9;
	_ =	strace $0x80000048  }
0xb4: {  	_ =	swait.ge [sflag:s29], $0x1  }
0xb5: {  	[sflag:s29] =	ssyncadd.s32 $0xFFFFFFFF  }
0xb6: {  	_ =	strace $0x90000048  }
0xb7: {  	_ =	sfence  }
0xb8: {  	s30 =	sld [smem:$0x0];
	_ =	sdelay $0x2  }
0xb9: {  	s31 =	sshll.u32 s1, $0xD;
	s1 =	sshrl.u32 s1, $0x2  }
0xba: {  	s3 =	sand.u32 $0x4000, s31;
	s1 =	sadd.s32 s1, s30  }
0xbb: {  	s0 =	sor.u32 s3, s0;
	s1 =	sshll.u32 s1, $0x11  }
0xbc: {  	s0 =	sor.u32 s1, s0  }
0xbd: {  	s0 =	sadd.s32 $0x8F2B, s0  }
0xbe: {  	[sflag:s0] =	ssyncadd.remote.s32 $0x1  }
0xbf: {  	_ =	sfence.sel $0xFFFF  }
0xc0: {  	[dreg:$0x0] =	wrdreg $0xFFFFFFFF;
	(pc) =	sbr.abs _section_cstart, $3  }
0xc1: {  	[dreg:$0x1] =	wrdreg $0xFFFFFFFF  }
0xc2: {  	_ =	task.clear_ibuf [dreg:s7], $0x2FFFF;
	_ =	strace $0x9FFFFFFF  }
0xc3: {  	(tm) =	ssettm $0x7FFFFFFF  }
tec
execute0_lowered:
.L_overlay_start_1:
0x0: {  	(tag) =	ssettag $0x1  }
0x1: {  	s0 =	rddreg [dreg:$0x1]  }
0x2: {  	s2 =	rddreg [dreg:$0x2]  }
0x3: {  	s3 =	simm.s32 $0x0;
	s4 =	srdreg.scid;
	s1 =	stileid.u32  }
0x4: {  	s18 =	simm.s32 $0x6;
	s19 =	simm.s32 $0x100;
	s20 =	simm.s32 $0x1  }
0x5: {  	s21 =	simm.s32 $0x80;
	s22 =	simm.s32 $0x200;
	s23 =	simm.s32 $0x180  }
0x6: {  	s28 =	simm.s32 $0x5;
	s29 =	simm.s32 $0x4;
	[smem:$0x7FF] =	sst s3  }
0x7: {  	s14 =	sadd.s32 $0x1E00, s0;
	s5 =	sand.u32 $0x1, s4;
	s9 =	smul.u32 $0x4E200, s1  }
0x8: {  	s24 =	sadd.s32 $0xBC00, s0;
	s6 =	sadd.s32 $0x15A00, s0;
	s11 =	smul.u32 $0x4F00, s1  }
0x9: {  	s7 =	sadd.s32 $0x18200, s0;
	s30 =	sshll.u32 s1, $0x6;
	s16 =	smul.u32 $0x9E0, s1  }
0xa: {  	s13 =	smul.u32 $0x2780, s1;
	s1 =	simm.s32 $0x0;
	s8 =	ssub.s32 $0x2, s5  }
0xb: {  	_ =	strace $0x80000047;
	[dreg:$0x4] =	wrdreg s5;
	s10 =	sshrl.u32 s8, $0x1  }
0xc: {  	s26 =	sshrl.u32 s9, $0x2;
	s31 =	sshrl.u32 s11, $0x3;
	s15 =	sadd.s32 s16, s24  }
0xd: {  	s16 =	sadd.s32 s16, s14;
	s25 =	ssub.s32 s8, s10;
	s17 =	sadd.s32 s26, s2  }
0xe: {  	s8 =	sor.u32 $0x1C06, s30;
	s9 =	sadd.s32 s14, s31;
	s12 =	sor.u32 $0x10, s31  }
0xf: {  	s10 =	sadd.s32 s24, s31;
	s26 =	simm.s32 $0x4200;
	s11 =	sadd.s32 s14, s12  }
0x10: {  	s12 =	sadd.s32 s24, s12;
	s0 =	smax.u32 s25, $0x1;
	s17 =	sshrl.u32 s17, $0x3  }
0x11: {  	s24 =	simm.s32 $0x3;
	s25 =	simm.s32 $0x2;
	[dreg:$0x5] =	wrdreg s0  }
.LBB2_1:
0x12: {  	[dreg:$0x6] =	wrdreg s1;
	s31 =	simm.s32 $0x0  }
.LBB2_2:
0x13: {  	[spmem:s17], [sflag:s8] =	dma.local [hbm:s6], $0x2710  }
0x14: {  	_ =	swait.ge [sflag:s18], $0x2710  }
0x15: {  	[sflag:s18] =	ssyncset.done $0x0  }
0x16: {  	[sflag:s18] =	ssyncadd.s32 $0xFFFFD8F0  }
0x17: {  	[bflag:$0x0] =	sbarrier.arrive $0xFFFF  }
0x18: {  	[tilespmem:s3], [sflag:$0x1] =	stream.linear.gather [hbm4b:s9+s3], $0x80, $0x38;
	[tilespmem:$0x1BB00] =	vst v63  }
0x19: {  	_ = 	snop  }
0x1a: {  	[tilespmem:s19], [sflag:$0x1] =	stream.linear.gather [hbm4b:s10+s3], $0x80, $0x38;
	[tilespmem:$0x1BB00] =	vst v63  }
0x1b: {  	_ =	swait.ge [sflag:s20], $0x80  }
0x1c: {  	[sflag:s20] =	ssyncset.done $0x0  }
0x1d: {  	[sflag:s20] =	ssyncadd.s32 $0xFFFFFF80  }
0x1e: {  	s0 =	sshll.u32 s31, $0x1;
	s1 =	rddreg [dreg:$0x4];
	_ =	swait.ge [sflag:s20], $0x80  }
0x1f: {  	s0 =	sor.u32 s1, s0;
	[sflag:s20] =	ssyncset.done $0x0  }
0x20: {  	s4 =	smul.u32 $0x27100, s0;
	[sflag:s20] =	ssyncadd.s32 $0xFFFFFF80  }
0x21: {  	s14 =	rddreg [dreg:$0x0]  }
0x22: {  	s4 =	sadd.s32 s14, s4  }
0x23: {  	[tilespmem:s22], [sflag:$0x3] =	stream.indirect.gather [hbm4b:s4+s21], $0x80, s3, s21, $0xb8;
	[tilespmem:$0x1BB00] =	vst v63  }
0x24: {  	_ = 	snop  }
0x25: {  	[tilespmem:s21], [sflag:$0x2] =	stream.linear.gather [hbm4b:s11+s3], $0x80, $0x38;
	[tilespmem:$0x1BB00] =	vst v63  }
0x26: {  	_ = 	snop  }
0x27: {  	[tilespmem:s23], [sflag:$0x2] =	stream.linear.gather [hbm4b:s12+s3], $0x80, $0x38;
	[tilespmem:$0x1BB00] =	vst v63  }
0x28: {  	_ =	swait.ge [sflag:s24], $0x4000  }
0x29: {  	[sflag:s24] =	ssyncset.done $0x0  }
0x2a: {  	[sflag:s24] =	ssyncadd.s32 $0xFFFFC000  }
0x2b: {  	[spmem:s2] =	stream.indirect.scatter.add.f32 [tilespmem:s22], [sflag:$0x5], $0x80, s19, s21, $0xb8;
	[tilespmem:$0x1BB00] =	vst v63  }
0x2c: {  	_ =	swait.ge [sflag:s25], $0x80  }
0x2d: {  	[sflag:s25] =	ssyncset.done $0x0  }
0x2e: {  	[sflag:s25] =	ssyncadd.s32 $0xFFFFFF80  }
0x2f: {  	_ =	swait.ge [sflag:s25], $0x80  }
0x30: {  	[sflag:s25] =	ssyncset.done $0x0  }
0x31: {  	[sflag:s25] =	ssyncadd.s32 $0xFFFFFF80  }
0x32: {  	[tilespmem:s26], [sflag:$0x4] =	stream.indirect.gather [hbm4b:s4+s21], $0x80, s21, s21, $0xb8;
	[tilespmem:$0x1BB00] =	vst v63  }
0x33: {  	_ =	swait.ge [sflag:s28], $0x4000  }
0x34: {  	s14 =	sadd.s32 $0xFFFFF640, s16;
	[sflag:s28] =	ssyncset.done $0x0  }
0x35: {  	s5 =	sadd.s32 $0xFFFFF640, s15;
	s30 =	sadd.s32 $0x9E0, s14;
	[sflag:s28] =	ssyncadd.s32 $0xFFFFC000  }
0x36: {  	[tilespmem:s3], [sflag:$0x1] =	stream.linear.gather [hbm4b:s30+s3], $0x80, $0x38;
	[tilespmem:$0x1BB00] =	vst v63  }
0x37: {  	s30 =	sadd.s32 $0x9E0, s5  }
0x38: {  	[tilespmem:s19], [sflag:$0x1] =	stream.linear.gather [hbm4b:s30+s3], $0x80, $0x38;
	[tilespmem:$0x1BB00] =	vst v63  }
0x39: {  	_ =	swait.ge [sflag:s29], $0x4000  }
0x3a: {  	[sflag:s29] =	ssyncset.done $0x0  }
0x3b: {  	[sflag:s29] =	ssyncadd.s32 $0xFFFFC000  }
0x3c: {  	[spmem:s2] =	stream.indirect.scatter.add.f32 [tilespmem:s26], [sflag:$0x5], $0x80, s23, s21, $0xb8;
	[tilespmem:$0x1BB00] =	vst v63  }
0x3d: {  	_ =	swait.ge [sflag:s20], $0x80  }
0x3e: {  	[sflag:s20] =	ssyncset.done $0x0  }
0x3f: {  	[sflag:s20] =	ssyncadd.s32 $0xFFFFFF80  }
0x40: {  	_ =	swait.ge [sflag:s20], $0x80  }
0x41: {  	[sflag:s20] =	ssyncset.done $0x0  }
0x42: {  	[sflag:s20] =	ssyncadd.s32 $0xFFFFFF80  }
0x43: {  	[tilespmem:s22], [sflag:$0x3] =	stream.indirect.gather [hbm4b:s4+s21], $0x80, s3, s21, $0xb8;
	[tilespmem:$0x1BB00] =	vst v63  }
0x44: {  	_ =	swait.ge [sflag:s28], $0x4000  }
0x45: {  	[sflag:s28] =	ssyncset.done $0x0  }
0x46: {  	s14 =	sadd.s32 $0x9F0, s14;
	[sflag:s28] =	ssyncadd.s32 $0xFFFFC000  }
0x47: {  	[tilespmem:s21], [sflag:$0x2] =	stream.linear.gather [hbm4b:s14+s3], $0x80, $0x38;
	[tilespmem:$0x1BB00] =	vst v63  }
0x48: {  	s30 =	sadd.s32 $0x9F0, s5;
	s14 =	simm.s32 $0xFFFFF660  }
.LBB2_3:
0x49: {  	[tilespmem:s23], [sflag:$0x2] =	stream.linear.gather [hbm4b:s30+s3], $0x80, $0x38;
	[tilespmem:$0x1BB00] =	vst v63  }
0x4a: {  	s1 =	smov.u32 s14  }
0x4b: {  	p0 =	sne.s32 s14, $0xFFFFFFE0;
	s14 =	sadd.s32 $0x20, s14;
	_ =	swait.ge [sflag:s24], $0x4000  }
0x4c: {  	[sflag:s24] =	ssyncset.done $0x0  }
0x4d: {  	[sflag:s24] =	ssyncadd.s32 $0xFFFFC000  }
0x4e: {  	[spmem:s2] =	stream.indirect.scatter.add.f32 [tilespmem:s22], [sflag:$0x5], $0x80, s19, s21, $0xb8;
	[tilespmem:$0x1BB00] =	vst v63  }
0x4f: {  	_ =	swait.ge [sflag:s25], $0x80  }
0x50: {  	[sflag:s25] =	ssyncset.done $0x0  }
0x51: {  	[sflag:s25] =	ssyncadd.s32 $0xFFFFFF80  }
0x52: {  	_ =	swait.ge [sflag:s25], $0x80  }
0x53: {  	[sflag:s25] =	ssyncset.done $0x0  }
0x54: {  	[sflag:s25] =	ssyncadd.s32 $0xFFFFFF80  }
0x55: {  	[tilespmem:s26], [sflag:$0x4] =	stream.indirect.gather [hbm4b:s4+s21], $0x80, s21, s21, $0xb8;
	[tilespmem:$0x1BB00] =	vst v63  }
0x56: {  	_ =	swait.ge [sflag:s28], $0x4000  }
0x57: {  	s30 =	sadd.s32 s1, s16;
	[sflag:s28] =	ssyncset.done $0x0  }
0x58: {  	s1 =	sadd.s32 s1, s15;
	s5 =	sadd.s32 $0x9E0, s30;
	[sflag:s28] =	ssyncadd.s32 $0xFFFFC000  }
0x59: {  	[tilespmem:s3], [sflag:$0x1] =	stream.linear.gather [hbm4b:s5+s3], $0x80, $0x38;
	[tilespmem:$0x1BB00] =	vst v63  }
0x5a: {  	s5 =	sadd.s32 $0x9E0, s1  }
0x5b: {  	[tilespmem:s19], [sflag:$0x1] =	stream.linear.gather [hbm4b:s5+s3], $0x80, $0x38;
	[tilespmem:$0x1BB00] =	vst v63  }
0x5c: {  	_ =	swait.ge [sflag:s29], $0x4000  }
0x5d: {  	[sflag:s29] =	ssyncset.done $0x0  }
0x5e: {  	[sflag:s29] =	ssyncadd.s32 $0xFFFFC000  }
0x5f: {  	[spmem:s2] =	stream.indirect.scatter.add.f32 [tilespmem:s26], [sflag:$0x5], $0x80, s23, s21, $0xb8;
	[tilespmem:$0x1BB00] =	vst v63  }
0x60: {  	_ =	swait.ge [sflag:s20], $0x80  }
0x61: {  	[sflag:s20] =	ssyncset.done $0x0  }
0x62: {  	[sflag:s20] =	ssyncadd.s32 $0xFFFFFF80  }
0x63: {  	_ =	swait.ge [sflag:s20], $0x80  }
0x64: {  	[sflag:s20] =	ssyncset.done $0x0  }
0x65: {  	[sflag:s20] =	ssyncadd.s32 $0xFFFFFF80  }
0x66: {  	[tilespmem:s22], [sflag:$0x3] =	stream.indirect.gather [hbm4b:s4+s21], $0x80, s3, s21, $0xb8;
	[tilespmem:$0x1BB00] =	vst v63  }
.Ltmp0:
0x67: {  	_ =	swait.ge [sflag:s28], $0x4000;
	(pc) =	sbr.rel @p0 .LBB2_3-.Ltmp0, $4  }
0x68: {  	[sflag:s28] =	ssyncset.done $0x0  }
0x69: {  	s5 =	sadd.s32 $0x9F0, s30;
	[sflag:s28] =	ssyncadd.s32 $0xFFFFC000  }
0x6a: {  	[tilespmem:s21], [sflag:$0x2] =	stream.linear.gather [hbm4b:s5+s3], $0x80, $0x38;
	[tilespmem:$0x1BB00] =	vst v63  }
0x6b: {  	s30 =	sadd.s32 $0x9F0, s1  }
0x6c: {  	[tilespmem:s23], [sflag:$0x2] =	stream.linear.gather [hbm4b:s30+s3], $0x80, $0x38;
	[tilespmem:$0x1BB00] =	vst v63  }
0x6d: {  	_ =	swait.ge [sflag:s24], $0x4000  }
0x6e: {  	[sflag:s24] =	ssyncset.done $0x0  }
0x6f: {  	[sflag:s24] =	ssyncadd.s32 $0xFFFFC000  }
0x70: {  	[spmem:s2] =	stream.indirect.scatter.add.f32 [tilespmem:s22], [sflag:$0x5], $0x80, s19, s21, $0xb8;
	[tilespmem:$0x1BB00] =	vst v63  }
0x71: {  	_ =	swait.ge [sflag:s25], $0x80  }
0x72: {  	[sflag:s25] =	ssyncset.done $0x0  }
0x73: {  	[sflag:s25] =	ssyncadd.s32 $0xFFFFFF80  }
0x74: {  	_ =	swait.ge [sflag:s25], $0x80  }
0x75: {  	[sflag:s25] =	ssyncset.done $0x0  }
0x76: {  	[sflag:s25] =	ssyncadd.s32 $0xFFFFFF80  }
0x77: {  	[tilespmem:s26], [sflag:$0x4] =	stream.indirect.gather [hbm4b:s4+s21], $0x80, s21, s21, $0xb8;
	[tilespmem:$0x1BB00] =	vst v63  }
0x78: {  	_ =	swait.ge [sflag:s28], $0x4000  }
0x79: {  	[sflag:s28] =	ssyncset.done $0x0  }
0x7a: {  	[sflag:s28] =	ssyncadd.s32 $0xFFFFC000  }
0x7b: {  	_ =	swait.ge [sflag:s29], $0x4000  }
0x7c: {  	[sflag:s29] =	ssyncset.done $0x0  }
0x7d: {  	[sflag:s29] =	ssyncadd.s32 $0xFFFFC000  }
0x7e: {  	[spmem:s2] =	stream.indirect.scatter.add.f32 [tilespmem:s26], [sflag:$0x5], $0x80, s23, s21, $0xb8;
	[tilespmem:$0x1BB00] =	vst v63  }
0x7f: {  	s0 =	smul.u32 $0x27800, s0;
	_ =	swait.ge [sflag:s28], $0x4000  }
0x80: {  	s31 =	sadd.s32 $0x1, s31;
	[sflag:s28] =	ssyncset.done $0x0  }
0x81: {  	p0 =	sne.s32 s31, $0x8;
	s0 =	sadd.s32 s7, s0;
	[sflag:s28] =	ssyncadd.s32 $0xFFFFC000  }
.Ltmp1:
0x82: {  	s0 =	sadd.s32 s13, s0;
	[bflag:$0x0] =	sbarrier.arrive $0xFFFF;
	(pc) =	sbr.rel @p0 .LBB2_2-.Ltmp1, $4  }
0x83: {  	[hbm:s0], [sflag:s8] =	dma.local [spmem:s17], $0x2710  }
0x84: {  	_ =	swait.ge [sflag:s18], $0x2710  }
0x85: {  	[sflag:s18] =	ssyncset.done $0x0  }
0x86: {  	[sflag:s18] =	ssyncadd.s32 $0xFFFFD8F0  }
0x87: {  	s1 =	rddreg [dreg:$0x6]  }
0x88: {  	s0 =	rddreg [dreg:$0x5];
	s1 =	sadd.s32 $0x1, s1  }
0x89: {  	p0 =	sne.s32 s1, s0  }
.Ltmp2:
0x8a: {  	_ = 	snop;
	(pc) =	sbr.rel @p0 .LBB2_1-.Ltmp2, $1  }
0x8b: {  	_ =	sdelay $0x3  }
0x8c: {  	_ =	sfence.sel $0x180000  }
0x8d: {  	[bflag:$0x0] =	sbarrier.arrive $0xFFFF  }
0x8e: {  	_ =	strace $0x90000047  }
0x8f: {  	s0 =	stileid.u32;
	[bflag:$0x2] =	sbarrier.arrive $0xFFFF  }
0x90: {  	p0 =	sne.s32 s0, $0x0;
	s0 =	rddreg [dreg:$0x3]  }
0x91: {  	s0 =	sadd.s32 @!p0 $0x100000, s0  }
0x92: {  	[sflag:s0] =	ssyncadd.tile.s32 @!p0 $0x1;
	_ =	shalt  }
.Lfunc_end2:
_tile_overlayer_lowered:
.L_overlay_start_2:
0x93: {  	(tag) =	ssettag $0x2  }
0x94: {  	s0 =	rddreg [dreg:$0x0];
	s2 =	stileid.u32  }
0x95: {  	s1 =	rddreg [dreg:$0x1];
	p0 =	sne.s32 s2, $0x0  }
0x96: {  	s3 =	rddreg [dreg:$0x2];
	[bflag:$0x3] =	sbarrier.arrive $0xFFFF;
	s2 =	simm.s32 @!p0 $0x1C06  }
0x97: {  	[timem:s3], [sflag:s2] =	dma.local @!p0 [hbm:s0], s1  }
0x98: {  	s0 =	simm.s32 @!p0 $0x6  }
0x99: {  	_ =	swait.ge @!p0 [sflag:s0], s1  }
0x9a: {  	s1 =	ssub.s32 @!p0 $0x0, s1;
	[sflag:s0] =	ssyncset.done @!p0 $0x0  }
0x9b: {  	[sflag:s0] =	ssyncadd.s32 @!p0 s1  }
0x9c: {  	[bflag:$0x3] =	sbarrier.arrive $0xFFFF  }
0x9d: {  	_ =	shalt  }

</sc_bundles>
